<compile_context>
chip_gen: v7x
topology: tpu7x:2x2x1
jax: 0.10.2.dev20260603
libtpu: 0.0.44.dev20260713+nightly
codegen_flags: <defaults>
</compile_context>

<pallas_src>
import functools

import jax
import jax.numpy as jnp
from jax import lax
from jax.experimental import pallas as pl
from jax.experimental.pallas import tpu as pltpu
from jax.experimental.pallas import tpu_sc as plsc

B, L = 16384, 200
PAD = -1.0

NC, NS, LANES = 2, 16, 16
NW = NC * NS
COLS_PER_W = B // NW
CHUNK = 128
NCHUNK = COLS_PER_W // CHUNK
GROUPS_PER_CHUNK = CHUNK // LANES

_mesh = plsc.VectorSubcoreMesh(core_axis_name="c", subcore_axis_name="s")


@functools.partial(
    pl.kernel,
    out_type=[
        jax.ShapeDtypeStruct((L, B), jnp.float32),
        jax.ShapeDtypeStruct((B,), jnp.int32),
    ],
    mesh=_mesh,
    scratch_types=[
        [pltpu.VMEM((L, CHUNK), jnp.float32)] * NCHUNK,
        pltpu.VMEM((COLS_PER_W,), jnp.int32),
        [pltpu.SemaphoreType.DMA] * NCHUNK,
    ],
    compiler_params=pltpu.CompilerParams(
        needs_layout_passes=False, use_tc_tiling_on_sc=True
    ),
)
def _dense_to_ragged(xt_hbm, vt_hbm, len_hbm, bufs, len_v, sems):
    wid = lax.axis_index("s") * NC + lax.axis_index("c")
    b0 = wid * COLS_PER_W

    def start_in(i):
        return pltpu.async_copy(
            xt_hbm.at[:, pl.ds(b0 + i * CHUNK, CHUNK)], bufs[i], sems[i]
        )

    ins = [start_in(i) for i in range(min(3, NCHUNK))]
    outs = []
    for i in range(NCHUNK):
        buf = bufs[i]
        ins[i].wait()

        zero8 = tuple(jnp.zeros((16,), jnp.int32) for _ in range(GROUPS_PER_CHUNK))

        @plsc.parallel_loop(0, L, step=1, carry=zero8)
        def cnt(l, accs, _buf=buf):
            new = []
            for g in range(GROUPS_PER_CHUNK):
                o = g * LANES
                v = _buf[l, pl.ds(o, 16)]
                is_pad = v == PAD
                _buf[l, pl.ds(o, 16)] = jnp.where(is_pad, jnp.float32(0.0), v)
                new.append(accs[g] + jnp.where(is_pad, 0, 1))
            return tuple(new)

        for g in range(GROUPS_PER_CHUNK):
            len_v[pl.ds(i * CHUNK + g * LANES, 16)] = cnt[g]

        outs.append(
            pltpu.async_copy(
                bufs[i], vt_hbm.at[:, pl.ds(b0 + i * CHUNK, CHUNK)], sems[i]
            )
        )
        if i + 3 < NCHUNK:
            ins.append(start_in(i + 3))

    for h in outs:
        h.wait()
    pltpu.sync_copy(len_v, len_hbm.at[pl.ds(b0, COLS_PER_W)])


def kernel(inputs):
    values_t, row_lengths = _dense_to_ragged(inputs.T)
    return values_t.T, row_lengths

# --- scband reference (transcript-rebuilt; emitter-appended) ---
"""Pipeline reference for scband-dense-to-ragged-layer-11879879541866 (READ-ONLY COPY).

The authoritative reference and input builder live on the scoring server;
editing this copy changes nothing except your own understanding.
"""

import jax, jax.numpy as jnp
import numpy as np

IGNORE = -1.0
B, L = 16384, 200

def setup_inputs(seed: int = 0) -> dict:
    key = jax.random.key(seed)
    k1, k2 = jax.random.split(key)
    vals = jax.random.uniform(k1, (B, L), dtype=jnp.float32, minval=0.0, maxval=10.0)
    lengths = jax.random.randint(k2, (B,), 1, L + 1)
    pos = jnp.arange(L)[None, :]
    inputs = jnp.where(pos < lengths[:, None], vals, jnp.float32(IGNORE))
    return {"inputs": inputs}

def reference(inputs):
    # tf.RaggedTensor.from_tensor(inputs, padding=ignore_value):
    # row_length[i] = index of last element != padding, plus 1 (trailing padding stripped).
    # JAX static-shape equivalent of a ragged tensor: (masked dense values, row_lengths).
    L_ = inputs.shape[1]
    nonpad = inputs != IGNORE
    row_lengths = jnp.max(
        jnp.where(nonpad, jnp.arange(1, L_ + 1, dtype=jnp.int32)[None, :], 0), axis=1
    ).astype(jnp.int32)
    valid = jnp.arange(L_)[None, :] < row_lengths[:, None]
    values = jnp.where(valid, inputs, jnp.float32(0.0))
    return values, row_lengths

if __name__ == "__main__":
    import jax
    _d = setup_inputs()
    print(jax.jit(kernel)(*tuple(_d.values())))

</pallas_src>

<mosaic_0001>
#map = affine_map<(d0, d1) -> (0, 0)>
#map1 = affine_map<(d0, d1) -> (0)>
module attributes {stable_mosaic.version = 14 : i64} {
  func.func @_dense_to_ragged(%arg0: i32, %arg1: i32, %arg2: memref<200x16384xf32, #tpu.memory_space<hbm>>, %arg3: memref<200x16384xf32, #tpu.memory_space<hbm>>, %arg4: memref<16384xi32, #tpu.memory_space<hbm>>, %arg5: memref<200x128xf32, #tpu.memory_space<vmem>>, %arg6: memref<200x128xf32, #tpu.memory_space<vmem>>, %arg7: memref<200x128xf32, #tpu.memory_space<vmem>>, %arg8: memref<200x128xf32, #tpu.memory_space<vmem>>, %arg9: memref<512xi32, #tpu.memory_space<vmem>>, %arg10: memref<!tpu.dma_semaphore, #tpu.memory_space<semaphore_mem>>, %arg11: memref<!tpu.dma_semaphore, #tpu.memory_space<semaphore_mem>>, %arg12: memref<!tpu.dma_semaphore, #tpu.memory_space<semaphore_mem>>, %arg13: memref<!tpu.dma_semaphore, #tpu.memory_space<semaphore_mem>>) attributes {dimension_semantics = [#tpu.dimension_semantics<core_parallel>, #tpu.dimension_semantics<subcore_parallel>], iteration_bounds = array<i64: 2, 16>, scalar_prefetch = 0 : i64, scratch_operands = 9 : i64, tpu.core_type = #tpu.core_type<sc_vector_subcore>, window_params = [{transform_indices = #map}, {transform_indices = #map}, {transform_indices = #map1}]} {
    %mul3A = arith.constant 2 : i32
    %mul3A_0 = arith.muli %arg1, %mul3A : i32
    %add3A = arith.addi %mul3A_0, %arg0 : i32
    %mul3A_1 = arith.constant 512 : i32
    %mul3A_2 = arith.muli %add3A, %mul3A_1 : i32
    %add3A_3 = arith.constant 0 : i32
    %add3A_4 = arith.addi %mul3A_2, %add3A_3 : i32
    %dma_start3A = arith.constant 0 : i32
    %dma_start3A_5 = tpu.memref_slice %arg2[%dma_start3A, %add3A_4] : memref<200x16384xf32, #tpu.memory_space<hbm>> -> memref<200x128xf32, #tpu.memory_space<hbm>>
    %dma_start3A_6 = arith.constant 0 : i32
    %dma_start3A_7 = tpu.memref_slice %arg2[%dma_start3A_6, %add3A_4] : memref<200x16384xf32, #tpu.memory_space<hbm>> -> memref<200x128xf32, #tpu.memory_space<hbm>>
    tpu.enqueue_dma source(%dma_start3A_7 : memref<200x128xf32, #tpu.memory_space<hbm>>) target(%arg5 : memref<200x128xf32, #tpu.memory_space<vmem>>) target_semaphore(%arg10 : memref<!tpu.dma_semaphore, #tpu.memory_space<semaphore_mem>>)
    %add3A_8 = arith.constant 128 : i32
    %add3A_9 = arith.addi %mul3A_2, %add3A_8 : i32
    %dma_start3A_10 = arith.constant 0 : i32
    %dma_start3A_11 = tpu.memref_slice %arg2[%dma_start3A_10, %add3A_9] : memref<200x16384xf32, #tpu.memory_space<hbm>> -> memref<200x128xf32, #tpu.memory_space<hbm>>
    %dma_start3A_12 = arith.constant 0 : i32
    %dma_start3A_13 = tpu.memref_slice %arg2[%dma_start3A_12, %add3A_9] : memref<200x16384xf32, #tpu.memory_space<hbm>> -> memref<200x128xf32, #tpu.memory_space<hbm>>
    tpu.enqueue_dma source(%dma_start3A_13 : memref<200x128xf32, #tpu.memory_space<hbm>>) target(%arg6 : memref<200x128xf32, #tpu.memory_space<vmem>>) target_semaphore(%arg11 : memref<!tpu.dma_semaphore, #tpu.memory_space<semaphore_mem>>)
    %add3A_14 = arith.constant 256 : i32
    %add3A_15 = arith.addi %mul3A_2, %add3A_14 : i32
    %dma_start3A_16 = arith.constant 0 : i32
    %dma_start3A_17 = tpu.memref_slice %arg2[%dma_start3A_16, %add3A_15] : memref<200x16384xf32, #tpu.memory_space<hbm>> -> memref<200x128xf32, #tpu.memory_space<hbm>>
    %dma_start3A_18 = arith.constant 0 : i32
    %dma_start3A_19 = tpu.memref_slice %arg2[%dma_start3A_18, %add3A_15] : memref<200x16384xf32, #tpu.memory_space<hbm>> -> memref<200x128xf32, #tpu.memory_space<hbm>>
    tpu.enqueue_dma source(%dma_start3A_19 : memref<200x128xf32, #tpu.memory_space<hbm>>) target(%arg7 : memref<200x128xf32, #tpu.memory_space<vmem>>) target_semaphore(%arg12 : memref<!tpu.dma_semaphore, #tpu.memory_space<semaphore_mem>>)
    %dma_wait3A = arith.constant 0 : i32
    %dma_wait3A_20 = tpu.memref_slice %arg2[%dma_wait3A, %add3A_4] : memref<200x16384xf32, #tpu.memory_space<hbm>> -> memref<200x128xf32, #tpu.memory_space<hbm>>
    %dma_wait3A_21 = arith.constant 0 : i32
    %dma_wait3A_22 = tpu.memref_slice %arg2[%dma_wait3A_21, %add3A_4] : memref<200x16384xf32, #tpu.memory_space<hbm>> -> memref<200x128xf32, #tpu.memory_space<hbm>>
    tpu.wait_dma2 semaphore(%arg10 : memref<!tpu.dma_semaphore, #tpu.memory_space<semaphore_mem>>) src(%dma_wait3A_22 : memref<200x128xf32, #tpu.memory_space<hbm>>) dst(%arg5 : memref<200x128xf32, #tpu.memory_space<vmem>>)
    %broadcast_in_dim3A = arith.constant 0 : i32
    %broadcast_in_dim3A_23 = vector.broadcast %broadcast_in_dim3A : i32 to vector<16xi32>
    %broadcast_in_dim3A_24 = arith.constant 0 : i32
    %broadcast_in_dim3A_25 = vector.broadcast %broadcast_in_dim3A_24 : i32 to vector<16xi32>
    %broadcast_in_dim3A_26 = arith.constant 0 : i32
    %broadcast_in_dim3A_27 = vector.broadcast %broadcast_in_dim3A_26 : i32 to vector<16xi32>
    %broadcast_in_dim3A_28 = arith.constant 0 : i32
    %broadcast_in_dim3A_29 = vector.broadcast %broadcast_in_dim3A_28 : i32 to vector<16xi32>
    %broadcast_in_dim3A_30 = arith.constant 0 : i32
    %broadcast_in_dim3A_31 = vector.broadcast %broadcast_in_dim3A_30 : i32 to vector<16xi32>
    %broadcast_in_dim3A_32 = arith.constant 0 : i32
    %broadcast_in_dim3A_33 = vector.broadcast %broadcast_in_dim3A_32 : i32 to vector<16xi32>
    %broadcast_in_dim3A_34 = arith.constant 0 : i32
    %broadcast_in_dim3A_35 = vector.broadcast %broadcast_in_dim3A_34 : i32 to vector<16xi32>
    %broadcast_in_dim3A_36 = arith.constant 0 : i32
    %broadcast_in_dim3A_37 = vector.broadcast %broadcast_in_dim3A_36 : i32 to vector<16xi32>
    %parallel_loop3A = arith.constant 0 : i32
    %parallel_loop3A_38 = arith.constant 200 : i32
    %parallel_loop3A_39 = arith.constant 1 : i32
    %parallel_loop3A_40:8 = scf.for %parallel_loop3A_222 = %parallel_loop3A to %parallel_loop3A_38 step %parallel_loop3A_39 iter_args(%parallel_loop3A_223 = %broadcast_in_dim3A_23, %parallel_loop3A_224 = %broadcast_in_dim3A_25, %parallel_loop3A_225 = %broadcast_in_dim3A_27, %parallel_loop3A_226 = %broadcast_in_dim3A_29, %parallel_loop3A_227 = %broadcast_in_dim3A_31, %parallel_loop3A_228 = %broadcast_in_dim3A_33, %parallel_loop3A_229 = %broadcast_in_dim3A_35, %parallel_loop3A_230 = %broadcast_in_dim3A_37) -> (vector<16xi32>, vector<16xi32>, vector<16xi32>, vector<16xi32>, vector<16xi32>, vector<16xi32>, vector<16xi32>, vector<16xi32>)  : i32 {
      %parallel_loop3A_231 = arith.index_cast %parallel_loop3A_222 : i32 to index
      %parallel_loop3A_232 = arith.constant 0 : index
      %parallel_loop3A_233 = tpu.vector_load %arg5[%parallel_loop3A_231, %parallel_loop3A_232] {strides = array<i32>} : memref<200x128xf32, #tpu.memory_space<vmem>>, vector<16xf32>,
      %parallel_loop3A_234 = arith.constant -1.000000e+00 : f32
      %parallel_loop3A_235 = vector.broadcast %parallel_loop3A_234 : f32 to vector<16xf32>
      %parallel_loop3A_236 = arith.cmpf oeq, %parallel_loop3A_233, %parallel_loop3A_235 : vector<16xf32>
      %parallel_loop3A_237 = arith.constant 0.000000e+00 : f32
      %parallel_loop3A_238 = vector.broadcast %parallel_loop3A_237 : f32 to vector<16xf32>
      %parallel_loop3A_239 = arith.select %parallel_loop3A_236, %parallel_loop3A_238, %parallel_loop3A_233 : vector<16xi1>, vector<16xf32>
      %parallel_loop3A_240 = arith.index_cast %parallel_loop3A_222 : i32 to index
      %parallel_loop3A_241 = arith.constant 0 : index
      %parallel_loop3A_242 = tpu.vector_load %arg5[%parallel_loop3A_240, %parallel_loop3A_241] {strides = array<i32>} : memref<200x128xf32, #tpu.memory_space<vmem>>, vector<16xf32>,
      tpu.vector_store %arg5[%parallel_loop3A_240, %parallel_loop3A_241], %parallel_loop3A_239 {strides = array<i32>} : memref<200x128xf32, #tpu.memory_space<vmem>>, vector<16xf32>,
      %parallel_loop3A_243 = arith.constant 0 : i32
      %parallel_loop3A_244 = arith.constant 1 : i32
      %parallel_loop3A_245 = vector.broadcast %parallel_loop3A_243 : i32 to vector<16xi32>
      %parallel_loop3A_246 = vector.broadcast %parallel_loop3A_244 : i32 to vector<16xi32>
      %parallel_loop3A_247 = arith.select %parallel_loop3A_236, %parallel_loop3A_245, %parallel_loop3A_246 : vector<16xi1>, vector<16xi32>
      %parallel_loop3A_248 = arith.addi %parallel_loop3A_223, %parallel_loop3A_247 : vector<16xi32>
      %parallel_loop3A_249 = arith.index_cast %parallel_loop3A_222 : i32 to index
      %parallel_loop3A_250 = arith.constant 16 : index
      %parallel_loop3A_251 = tpu.vector_load %arg5[%parallel_loop3A_249, %parallel_loop3A_250] {strides = array<i32>} : memref<200x128xf32, #tpu.memory_space<vmem>>, vector<16xf32>,
      %parallel_loop3A_252 = arith.constant -1.000000e+00 : f32
      %parallel_loop3A_253 = vector.broadcast %parallel_loop3A_252 : f32 to vector<16xf32>
      %parallel_loop3A_254 = arith.cmpf oeq, %parallel_loop3A_251, %parallel_loop3A_253 : vector<16xf32>
      %parallel_loop3A_255 = arith.constant 0.000000e+00 : f32
      %parallel_loop3A_256 = vector.broadcast %parallel_loop3A_255 : f32 to vector<16xf32>
      %parallel_loop3A_257 = arith.select %parallel_loop3A_254, %parallel_loop3A_256, %parallel_loop3A_251 : vector<16xi1>, vector<16xf32>
      %parallel_loop3A_258 = arith.index_cast %parallel_loop3A_222 : i32 to index
      %parallel_loop3A_259 = arith.constant 16 : index
      %parallel_loop3A_260 = tpu.vector_load %arg5[%parallel_loop3A_258, %parallel_loop3A_259] {strides = array<i32>} : memref<200x128xf32, #tpu.memory_space<vmem>>, vector<16xf32>,
      tpu.vector_store %arg5[%parallel_loop3A_258, %parallel_loop3A_259], %parallel_loop3A_257 {strides = array<i32>} : memref<200x128xf32, #tpu.memory_space<vmem>>, vector<16xf32>,
      %parallel_loop3A_261 = arith.constant 0 : i32
      %parallel_loop3A_262 = arith.constant 1 : i32
      %parallel_loop3A_263 = vector.broadcast %parallel_loop3A_261 : i32 to vector<16xi32>
      %parallel_loop3A_264 = vector.broadcast %parallel_loop3A_262 : i32 to vector<16xi32>
      %parallel_loop3A_265 = arith.select %parallel_loop3A_254, %parallel_loop3A_263, %parallel_loop3A_264 : vector<16xi1>, vector<16xi32>
      %parallel_loop3A_266 = arith.addi %parallel_loop3A_224, %parallel_loop3A_265 : vector<16xi32>
      %parallel_loop3A_267 = arith.index_cast %parallel_loop3A_222 : i32 to index
      %parallel_loop3A_268 = arith.constant 32 : index
      %parallel_loop3A_269 = tpu.vector_load %arg5[%parallel_loop3A_267, %parallel_loop3A_268] {strides = array<i32>} : memref<200x128xf32, #tpu.memory_space<vmem>>, vector<16xf32>,
      %parallel_loop3A_270 = arith.constant -1.000000e+00 : f32
      %parallel_loop3A_271 = vector.broadcast %parallel_loop3A_270 : f32 to vector<16xf32>
      %parallel_loop3A_272 = arith.cmpf oeq, %parallel_loop3A_269, %parallel_loop3A_271 : vector<16xf32>
      %parallel_loop3A_273 = arith.constant 0.000000e+00 : f32
      %parallel_loop3A_274 = vector.broadcast %parallel_loop3A_273 : f32 to vector<16xf32>
      %parallel_loop3A_275 = arith.select %parallel_loop3A_272, %parallel_loop3A_274, %parallel_loop3A_269 : vector<16xi1>, vector<16xf32>
      %parallel_loop3A_276 = arith.index_cast %parallel_loop3A_222 : i32 to index
      %parallel_loop3A_277 = arith.constant 32 : index
      %parallel_loop3A_278 = tpu.vector_load %arg5[%parallel_loop3A_276, %parallel_loop3A_277] {strides = array<i32>} : memref<200x128xf32, #tpu.memory_space<vmem>>, vector<16xf32>,
      tpu.vector_store %arg5[%parallel_loop3A_276, %parallel_loop3A_277], %parallel_loop3A_275 {strides = array<i32>} : memref<200x128xf32, #tpu.memory_space<vmem>>, vector<16xf32>,
      %parallel_loop3A_279 = arith.constant 0 : i32
      %parallel_loop3A_280 = arith.constant 1 : i32
      %parallel_loop3A_281 = vector.broadcast %parallel_loop3A_279 : i32 to vector<16xi32>
      %parallel_loop3A_282 = vector.broadcast %parallel_loop3A_280 : i32 to vector<16xi32>
      %parallel_loop3A_283 = arith.select %parallel_loop3A_272, %parallel_loop3A_281, %parallel_loop3A_282 : vector<16xi1>, vector<16xi32>
      %parallel_loop3A_284 = arith.addi %parallel_loop3A_225, %parallel_loop3A_283 : vector<16xi32>
      %parallel_loop3A_285 = arith.index_cast %parallel_loop3A_222 : i32 to index
      %parallel_loop3A_286 = arith.constant 48 : index
      %parallel_loop3A_287 = tpu.vector_load %arg5[%parallel_loop3A_285, %parallel_loop3A_286] {strides = array<i32>} : memref<200x128xf32, #tpu.memory_space<vmem>>, vector<16xf32>,
      %parallel_loop3A_288 = arith.constant -1.000000e+00 : f32
      %parallel_loop3A_289 = vector.broadcast %parallel_loop3A_288 : f32 to vector<16xf32>
      %parallel_loop3A_290 = arith.cmpf oeq, %parallel_loop3A_287, %parallel_loop3A_289 : vector<16xf32>
      %parallel_loop3A_291 = arith.constant 0.000000e+00 : f32
      %parallel_loop3A_292 = vector.broadcast %parallel_loop3A_291 : f32 to vector<16xf32>
      %parallel_loop3A_293 = arith.select %parallel_loop3A_290, %parallel_loop3A_292, %parallel_loop3A_287 : vector<16xi1>, vector<16xf32>
      %parallel_loop3A_294 = arith.index_cast %parallel_loop3A_222 : i32 to index
      %parallel_loop3A_295 = arith.constant 48 : index
      %parallel_loop3A_296 = tpu.vector_load %arg5[%parallel_loop3A_294, %parallel_loop3A_295] {strides = array<i32>} : memref<200x128xf32, #tpu.memory_space<vmem>>, vector<16xf32>,
      tpu.vector_store %arg5[%parallel_loop3A_294, %parallel_loop3A_295], %parallel_loop3A_293 {strides = array<i32>} : memref<200x128xf32, #tpu.memory_space<vmem>>, vector<16xf32>,
      %parallel_loop3A_297 = arith.constant 0 : i32
      %parallel_loop3A_298 = arith.constant 1 : i32
      %parallel_loop3A_299 = vector.broadcast %parallel_loop3A_297 : i32 to vector<16xi32>
      %parallel_loop3A_300 = vector.broadcast %parallel_loop3A_298 : i32 to vector<16xi32>
      %parallel_loop3A_301 = arith.select %parallel_loop3A_290, %parallel_loop3A_299, %parallel_loop3A_300 : vector<16xi1>, vector<16xi32>
      %parallel_loop3A_302 = arith.addi %parallel_loop3A_226, %parallel_loop3A_301 : vector<16xi32>
      %parallel_loop3A_303 = arith.index_cast %parallel_loop3A_222 : i32 to index
      %parallel_loop3A_304 = arith.constant 64 : index
      %parallel_loop3A_305 = tpu.vector_load %arg5[%parallel_loop3A_303, %parallel_loop3A_304] {strides = array<i32>} : memref<200x128xf32, #tpu.memory_space<vmem>>, vector<16xf32>,
      %parallel_loop3A_306 = arith.constant -1.000000e+00 : f32
      %parallel_loop3A_307 = vector.broadcast %parallel_loop3A_306 : f32 to vector<16xf32>
      %parallel_loop3A_308 = arith.cmpf oeq, %parallel_loop3A_305, %parallel_loop3A_307 : vector<16xf32>
      %parallel_loop3A_309 = arith.constant 0.000000e+00 : f32
      %parallel_loop3A_310 = vector.broadcast %parallel_loop3A_309 : f32 to vector<16xf32>
      %parallel_loop3A_311 = arith.select %parallel_loop3A_308, %parallel_loop3A_310, %parallel_loop3A_305 : vector<16xi1>, vector<16xf32>
      %parallel_loop3A_312 = arith.index_cast %parallel_loop3A_222 : i32 to index
      %parallel_loop3A_313 = arith.constant 64 : index
      %parallel_loop3A_314 = tpu.vector_load %arg5[%parallel_loop3A_312, %parallel_loop3A_313] {strides = array<i32>} : memref<200x128xf32, #tpu.memory_space<vmem>>, vector<16xf32>,
      tpu.vector_store %arg5[%parallel_loop3A_312, %parallel_loop3A_313], %parallel_loop3A_311 {strides = array<i32>} : memref<200x128xf32, #tpu.memory_space<vmem>>, vector<16xf32>,
      %parallel_loop3A_315 = arith.constant 0 : i32
      %parallel_loop3A_316 = arith.constant 1 : i32
      %parallel_loop3A_317 = vector.broadcast %parallel_loop3A_315 : i32 to vector<16xi32>
      %parallel_loop3A_318 = vector.broadcast %parallel_loop3A_316 : i32 to vector<16xi32>
      %parallel_loop3A_319 = arith.select %parallel_loop3A_308, %parallel_loop3A_317, %parallel_loop3A_318 : vector<16xi1>, vector<16xi32>
      %parallel_loop3A_320 = arith.addi %parallel_loop3A_227, %parallel_loop3A_319 : vector<16xi32>
      %parallel_loop3A_321 = arith.index_cast %parallel_loop3A_222 : i32 to index
      %parallel_loop3A_322 = arith.constant 80 : index
      %parallel_loop3A_323 = tpu.vector_load %arg5[%parallel_loop3A_321, %parallel_loop3A_322] {strides = array<i32>} : memref<200x128xf32, #tpu.memory_space<vmem>>, vector<16xf32>,
      %parallel_loop3A_324 = arith.constant -1.000000e+00 : f32
      %parallel_loop3A_325 = vector.broadcast %parallel_loop3A_324 : f32 to vector<16xf32>
      %parallel_loop3A_326 = arith.cmpf oeq, %parallel_loop3A_323, %parallel_loop3A_325 : vector<16xf32>
      %parallel_loop3A_327 = arith.constant 0.000000e+00 : f32
      %parallel_loop3A_328 = vector.broadcast %parallel_loop3A_327 : f32 to vector<16xf32>
      %parallel_loop3A_329 = arith.select %parallel_loop3A_326, %parallel_loop3A_328, %parallel_loop3A_323 : vector<16xi1>, vector<16xf32>
      %parallel_loop3A_330 = arith.index_cast %parallel_loop3A_222 : i32 to index
      %parallel_loop3A_331 = arith.constant 80 : index
      %parallel_loop3A_332 = tpu.vector_load %arg5[%parallel_loop3A_330, %parallel_loop3A_331] {strides = array<i32>} : memref<200x128xf32, #tpu.memory_space<vmem>>, vector<16xf32>,
      tpu.vector_store %arg5[%parallel_loop3A_330, %parallel_loop3A_331], %parallel_loop3A_329 {strides = array<i32>} : memref<200x128xf32, #tpu.memory_space<vmem>>, vector<16xf32>,
      %parallel_loop3A_333 = arith.constant 0 : i32
      %parallel_loop3A_334 = arith.constant 1 : i32
      %parallel_loop3A_335 = vector.broadcast %parallel_loop3A_333 : i32 to vector<16xi32>
      %parallel_loop3A_336 = vector.broadcast %parallel_loop3A_334 : i32 to vector<16xi32>
      %parallel_loop3A_337 = arith.select %parallel_loop3A_326, %parallel_loop3A_335, %parallel_loop3A_336 : vector<16xi1>, vector<16xi32>
      %parallel_loop3A_338 = arith.addi %parallel_loop3A_228, %parallel_loop3A_337 : vector<16xi32>
      %parallel_loop3A_339 = arith.index_cast %parallel_loop3A_222 : i32 to index
      %parallel_loop3A_340 = arith.constant 96 : index
      %parallel_loop3A_341 = tpu.vector_load %arg5[%parallel_loop3A_339, %parallel_loop3A_340] {strides = array<i32>} : memref<200x128xf32, #tpu.memory_space<vmem>>, vector<16xf32>,
      %parallel_loop3A_342 = arith.constant -1.000000e+00 : f32
      %parallel_loop3A_343 = vector.broadcast %parallel_loop3A_342 : f32 to vector<16xf32>
      %parallel_loop3A_344 = arith.cmpf oeq, %parallel_loop3A_341, %parallel_loop3A_343 : vector<16xf32>
      %parallel_loop3A_345 = arith.constant 0.000000e+00 : f32
      %parallel_loop3A_346 = vector.broadcast %parallel_loop3A_345 : f32 to vector<16xf32>
      %parallel_loop3A_347 = arith.select %parallel_loop3A_344, %parallel_loop3A_346, %parallel_loop3A_341 : vector<16xi1>, vector<16xf32>
      %parallel_loop3A_348 = arith.index_cast %parallel_loop3A_222 : i32 to index
      %parallel_loop3A_349 = arith.constant 96 : index
      %parallel_loop3A_350 = tpu.vector_load %arg5[%parallel_loop3A_348, %parallel_loop3A_349] {strides = array<i32>} : memref<200x128xf32, #tpu.memory_space<vmem>>, vector<16xf32>,
      tpu.vector_store %arg5[%parallel_loop3A_348, %parallel_loop3A_349], %parallel_loop3A_347 {strides = array<i32>} : memref<200x128xf32, #tpu.memory_space<vmem>>, vector<16xf32>,
      %parallel_loop3A_351 = arith.constant 0 : i32
      %parallel_loop3A_352 = arith.constant 1 : i32
      %parallel_loop3A_353 = vector.broadcast %parallel_loop3A_351 : i32 to vector<16xi32>
      %parallel_loop3A_354 = vector.broadcast %parallel_loop3A_352 : i32 to vector<16xi32>
      %parallel_loop3A_355 = arith.select %parallel_loop3A_344, %parallel_loop3A_353, %parallel_loop3A_354 : vector<16xi1>, vector<16xi32>
      %parallel_loop3A_356 = arith.addi %parallel_loop3A_229, %parallel_loop3A_355 : vector<16xi32>
      %parallel_loop3A_357 = arith.index_cast %parallel_loop3A_222 : i32 to index
      %parallel_loop3A_358 = arith.constant 112 : index
      %parallel_loop3A_359 = tpu.vector_load %arg5[%parallel_loop3A_357, %parallel_loop3A_358] {strides = array<i32>} : memref<200x128xf32, #tpu.memory_space<vmem>>, vector<16xf32>,
      %parallel_loop3A_360 = arith.constant -1.000000e+00 : f32
      %parallel_loop3A_361 = vector.broadcast %parallel_loop3A_360 : f32 to vector<16xf32>
      %parallel_loop3A_362 = arith.cmpf oeq, %parallel_loop3A_359, %parallel_loop3A_361 : vector<16xf32>
      %parallel_loop3A_363 = arith.constant 0.000000e+00 : f32
      %parallel_loop3A_364 = vector.broadcast %parallel_loop3A_363 : f32 to vector<16xf32>
      %parallel_loop3A_365 = arith.select %parallel_loop3A_362, %parallel_loop3A_364, %parallel_loop3A_359 : vector<16xi1>, vector<16xf32>
      %parallel_loop3A_366 = arith.index_cast %parallel_loop3A_222 : i32 to index
      %parallel_loop3A_367 = arith.constant 112 : index
      %parallel_loop3A_368 = tpu.vector_load %arg5[%parallel_loop3A_366, %parallel_loop3A_367] {strides = array<i32>} : memref<200x128xf32, #tpu.memory_space<vmem>>, vector<16xf32>,
      tpu.vector_store %arg5[%parallel_loop3A_366, %parallel_loop3A_367], %parallel_loop3A_365 {strides = array<i32>} : memref<200x128xf32, #tpu.memory_space<vmem>>, vector<16xf32>,
      %parallel_loop3A_369 = arith.constant 0 : i32
      %parallel_loop3A_370 = arith.constant 1 : i32
      %parallel_loop3A_371 = vector.broadcast %parallel_loop3A_369 : i32 to vector<16xi32>
      %parallel_loop3A_372 = vector.broadcast %parallel_loop3A_370 : i32 to vector<16xi32>
      %parallel_loop3A_373 = arith.select %parallel_loop3A_362, %parallel_loop3A_371, %parallel_loop3A_372 : vector<16xi1>, vector<16xi32>
      %parallel_loop3A_374 = arith.addi %parallel_loop3A_230, %parallel_loop3A_373 : vector<16xi32>
      scf.yield %parallel_loop3A_248, %parallel_loop3A_266, %parallel_loop3A_284, %parallel_loop3A_302, %parallel_loop3A_320, %parallel_loop3A_338, %parallel_loop3A_356, %parallel_loop3A_374 : vector<16xi32>, vector<16xi32>, vector<16xi32>, vector<16xi32>, vector<16xi32>, vector<16xi32>, vector<16xi32>, vector<16xi32>
    } {sc.loop_unroll_factor = 1 : i64, sc.parallel_access}
    %swap3A = arith.constant 0 : index
    %swap3A_41 = tpu.vector_load %arg9[%swap3A] {strides = array<i32>} : memref<512xi32, #tpu.memory_space<vmem>>, vector<16xi32>,
    tpu.vector_store %arg9[%swap3A], %parallel_loop3A_40#0 {strides = array<i32>} : memref<512xi32, #tpu.memory_space<vmem>>, vector<16xi32>,
    %swap3A_42 = arith.constant 16 : index
    %swap3A_43 = tpu.vector_load %arg9[%swap3A_42] {strides = array<i32>} : memref<512xi32, #tpu.memory_space<vmem>>, vector<16xi32>,
    tpu.vector_store %arg9[%swap3A_42], %parallel_loop3A_40#1 {strides = array<i32>} : memref<512xi32, #tpu.memory_space<vmem>>, vector<16xi32>,
    %swap3A_44 = arith.constant 32 : index
    %swap3A_45 = tpu.vector_load %arg9[%swap3A_44] {strides = array<i32>} : memref<512xi32, #tpu.memory_space<vmem>>, vector<16xi32>,
    tpu.vector_store %arg9[%swap3A_44], %parallel_loop3A_40#2 {strides = array<i32>} : memref<512xi32, #tpu.memory_space<vmem>>, vector<16xi32>,
    %swap3A_46 = arith.constant 48 : index
    %swap3A_47 = tpu.vector_load %arg9[%swap3A_46] {strides = array<i32>} : memref<512xi32, #tpu.memory_space<vmem>>, vector<16xi32>,
    tpu.vector_store %arg9[%swap3A_46], %parallel_loop3A_40#3 {strides = array<i32>} : memref<512xi32, #tpu.memory_space<vmem>>, vector<16xi32>,
    %swap3A_48 = arith.constant 64 : index
    %swap3A_49 = tpu.vector_load %arg9[%swap3A_48] {strides = array<i32>} : memref<512xi32, #tpu.memory_space<vmem>>, vector<16xi32>,
    tpu.vector_store %arg9[%swap3A_48], %parallel_loop3A_40#4 {strides = array<i32>} : memref<512xi32, #tpu.memory_space<vmem>>, vector<16xi32>,
    %swap3A_50 = arith.constant 80 : index
    %swap3A_51 = tpu.vector_load %arg9[%swap3A_50] {strides = array<i32>} : memref<512xi32, #tpu.memory_space<vmem>>, vector<16xi32>,
    tpu.vector_store %arg9[%swap3A_50], %parallel_loop3A_40#5 {strides = array<i32>} : memref<512xi32, #tpu.memory_space<vmem>>, vector<16xi32>,
    %swap3A_52 = arith.constant 96 : index
    %swap3A_53 = tpu.vector_load %arg9[%swap3A_52] {strides = array<i32>} : memref<512xi32, #tpu.memory_space<vmem>>, vector<16xi32>,
    tpu.vector_store %arg9[%swap3A_52], %parallel_loop3A_40#6 {strides = array<i32>} : memref<512xi32, #tpu.memory_space<vmem>>, vector<16xi32>,
    %swap3A_54 = arith.constant 112 : index
    %swap3A_55 = tpu.vector_load %arg9[%swap3A_54] {strides = array<i32>} : memref<512xi32, #tpu.memory_space<vmem>>, vector<16xi32>,
    tpu.vector_store %arg9[%swap3A_54], %parallel_loop3A_40#7 {strides = array<i32>} : memref<512xi32, #tpu.memory_space<vmem>>, vector<16xi32>,
    %add3A_56 = arith.constant 0 : i32
    %add3A_57 = arith.addi %mul3A_2, %add3A_56 : i32
    %dma_start3A_58 = arith.constant 0 : i32
    %dma_start3A_59 = tpu.memref_slice %arg3[%dma_start3A_58, %add3A_57] : memref<200x16384xf32, #tpu.memory_space<hbm>> -> memref<200x128xf32, #tpu.memory_space<hbm>>
    %dma_start3A_60 = arith.constant 0 : i32
    %dma_start3A_61 = tpu.memref_slice %arg3[%dma_start3A_60, %add3A_57] : memref<200x16384xf32, #tpu.memory_space<hbm>> -> memref<200x128xf32, #tpu.memory_space<hbm>>
    tpu.enqueue_dma source(%arg5 : memref<200x128xf32, #tpu.memory_space<vmem>>) target(%dma_start3A_61 : memref<200x128xf32, #tpu.memory_space<hbm>>) target_semaphore(%arg10 : memref<!tpu.dma_semaphore, #tpu.memory_space<semaphore_mem>>)
    %add3A_62 = arith.constant 384 : i32
    %add3A_63 = arith.addi %mul3A_2, %add3A_62 : i32
    %dma_start3A_64 = arith.constant 0 : i32
    %dma_start3A_65 = tpu.memref_slice %arg2[%dma_start3A_64, %add3A_63] : memref<200x16384xf32, #tpu.memory_space<hbm>> -> memref<200x128xf32, #tpu.memory_space<hbm>>
    %dma_start3A_66 = arith.constant 0 : i32
    %dma_start3A_67 = tpu.memref_slice %arg2[%dma_start3A_66, %add3A_63] : memref<200x16384xf32, #tpu.memory_space<hbm>> -> memref<200x128xf32, #tpu.memory_space<hbm>>
    tpu.enqueue_dma source(%dma_start3A_67 : memref<200x128xf32, #tpu.memory_space<hbm>>) target(%arg8 : memref<200x128xf32, #tpu.memory_space<vmem>>) target_semaphore(%arg13 : memref<!tpu.dma_semaphore, #tpu.memory_space<semaphore_mem>>)
    %dma_wait3A_68 = arith.constant 0 : i32
    %dma_wait3A_69 = tpu.memref_slice %arg2[%dma_wait3A_68, %add3A_9] : memref<200x16384xf32, #tpu.memory_space<hbm>> -> memref<200x128xf32, #tpu.memory_space<hbm>>
    %dma_wait3A_70 = arith.constant 0 : i32
    %dma_wait3A_71 = tpu.memref_slice %arg2[%dma_wait3A_70, %add3A_9] : memref<200x16384xf32, #tpu.memory_space<hbm>> -> memref<200x128xf32, #tpu.memory_space<hbm>>
    tpu.wait_dma2 semaphore(%arg11 : memref<!tpu.dma_semaphore, #tpu.memory_space<semaphore_mem>>) src(%dma_wait3A_71 : memref<200x128xf32, #tpu.memory_space<hbm>>) dst(%arg6 : memref<200x128xf32, #tpu.memory_space<vmem>>)
    %broadcast_in_dim3A_72 = arith.constant 0 : i32
    %broadcast_in_dim3A_73 = vector.broadcast %broadcast_in_dim3A_72 : i32 to vector<16xi32>
    %broadcast_in_dim3A_74 = arith.constant 0 : i32
    %broadcast_in_dim3A_75 = vector.broadcast %broadcast_in_dim3A_74 : i32 to vector<16xi32>
    %broadcast_in_dim3A_76 = arith.constant 0 : i32
    %broadcast_in_dim3A_77 = vector.broadcast %broadcast_in_dim3A_76 : i32 to vector<16xi32>
    %broadcast_in_dim3A_78 = arith.constant 0 : i32
    %broadcast_in_dim3A_79 = vector.broadcast %broadcast_in_dim3A_78 : i32 to vector<16xi32>
    %broadcast_in_dim3A_80 = arith.constant 0 : i32
    %broadcast_in_dim3A_81 = vector.broadcast %broadcast_in_dim3A_80 : i32 to vector<16xi32>
    %broadcast_in_dim3A_82 = arith.constant 0 : i32
    %broadcast_in_dim3A_83 = vector.broadcast %broadcast_in_dim3A_82 : i32 to vector<16xi32>
    %broadcast_in_dim3A_84 = arith.constant 0 : i32
    %broadcast_in_dim3A_85 = vector.broadcast %broadcast_in_dim3A_84 : i32 to vector<16xi32>
    %broadcast_in_dim3A_86 = arith.constant 0 : i32
    %broadcast_in_dim3A_87 = vector.broadcast %broadcast_in_dim3A_86 : i32 to vector<16xi32>
    %parallel_loop3A_88 = arith.constant 0 : i32
    %parallel_loop3A_89 = arith.constant 200 : i32
    %parallel_loop3A_90 = arith.constant 1 : i32
    %parallel_loop3A_91:8 = scf.for %parallel_loop3A_222 = %parallel_loop3A_88 to %parallel_loop3A_89 step %parallel_loop3A_90 iter_args(%parallel_loop3A_223 = %broadcast_in_dim3A_73, %parallel_loop3A_224 = %broadcast_in_dim3A_75, %parallel_loop3A_225 = %broadcast_in_dim3A_77, %parallel_loop3A_226 = %broadcast_in_dim3A_79, %parallel_loop3A_227 = %broadcast_in_dim3A_81, %parallel_loop3A_228 = %broadcast_in_dim3A_83, %parallel_loop3A_229 = %broadcast_in_dim3A_85, %parallel_loop3A_230 = %broadcast_in_dim3A_87) -> (vector<16xi32>, vector<16xi32>, vector<16xi32>, vector<16xi32>, vector<16xi32>, vector<16xi32>, vector<16xi32>, vector<16xi32>)  : i32 {
      %parallel_loop3A_231 = arith.index_cast %parallel_loop3A_222 : i32 to index
      %parallel_loop3A_232 = arith.constant 0 : index
      %parallel_loop3A_233 = tpu.vector_load %arg6[%parallel_loop3A_231, %parallel_loop3A_232] {strides = array<i32>} : memref<200x128xf32, #tpu.memory_space<vmem>>, vector<16xf32>,
      %parallel_loop3A_234 = arith.constant -1.000000e+00 : f32
      %parallel_loop3A_235 = vector.broadcast %parallel_loop3A_234 : f32 to vector<16xf32>
      %parallel_loop3A_236 = arith.cmpf oeq, %parallel_loop3A_233, %parallel_loop3A_235 : vector<16xf32>
      %parallel_loop3A_237 = arith.constant 0.000000e+00 : f32
      %parallel_loop3A_238 = vector.broadcast %parallel_loop3A_237 : f32 to vector<16xf32>
      %parallel_loop3A_239 = arith.select %parallel_loop3A_236, %parallel_loop3A_238, %parallel_loop3A_233 : vector<16xi1>, vector<16xf32>
      %parallel_loop3A_240 = arith.index_cast %parallel_loop3A_222 : i32 to index
      %parallel_loop3A_241 = arith.constant 0 : index
      %parallel_loop3A_242 = tpu.vector_load %arg6[%parallel_loop3A_240, %parallel_loop3A_241] {strides = array<i32>} : memref<200x128xf32, #tpu.memory_space<vmem>>, vector<16xf32>,
      tpu.vector_store %arg6[%parallel_loop3A_240, %parallel_loop3A_241], %parallel_loop3A_239 {strides = array<i32>} : memref<200x128xf32, #tpu.memory_space<vmem>>, vector<16xf32>,
      %parallel_loop3A_243 = arith.constant 0 : i32
      %parallel_loop3A_244 = arith.constant 1 : i32
      %parallel_loop3A_245 = vector.broadcast %parallel_loop3A_243 : i32 to vector<16xi32>
      %parallel_loop3A_246 = vector.broadcast %parallel_loop3A_244 : i32 to vector<16xi32>
      %parallel_loop3A_247 = arith.select %parallel_loop3A_236, %parallel_loop3A_245, %parallel_loop3A_246 : vector<16xi1>, vector<16xi32>
      %parallel_loop3A_248 = arith.addi %parallel_loop3A_223, %parallel_loop3A_247 : vector<16xi32>
      %parallel_loop3A_249 = arith.index_cast %parallel_loop3A_222 : i32 to index
      %parallel_loop3A_250 = arith.constant 16 : index
      %parallel_loop3A_251 = tpu.vector_load %arg6[%parallel_loop3A_249, %parallel_loop3A_250] {strides = array<i32>} : memref<200x128xf32, #tpu.memory_space<vmem>>, vector<16xf32>,
      %parallel_loop3A_252 = arith.constant -1.000000e+00 : f32
      %parallel_loop3A_253 = vector.broadcast %parallel_loop3A_252 : f32 to vector<16xf32>
      %parallel_loop3A_254 = arith.cmpf oeq, %parallel_loop3A_251, %parallel_loop3A_253 : vector<16xf32>
      %parallel_loop3A_255 = arith.constant 0.000000e+00 : f32
      %parallel_loop3A_256 = vector.broadcast %parallel_loop3A_255 : f32 to vector<16xf32>
      %parallel_loop3A_257 = arith.select %parallel_loop3A_254, %parallel_loop3A_256, %parallel_loop3A_251 : vector<16xi1>, vector<16xf32>
      %parallel_loop3A_258 = arith.index_cast %parallel_loop3A_222 : i32 to index
      %parallel_loop3A_259 = arith.constant 16 : index
      %parallel_loop3A_260 = tpu.vector_load %arg6[%parallel_loop3A_258, %parallel_loop3A_259] {strides = array<i32>} : memref<200x128xf32, #tpu.memory_space<vmem>>, vector<16xf32>,
      tpu.vector_store %arg6[%parallel_loop3A_258, %parallel_loop3A_259], %parallel_loop3A_257 {strides = array<i32>} : memref<200x128xf32, #tpu.memory_space<vmem>>, vector<16xf32>,
      %parallel_loop3A_261 = arith.constant 0 : i32
      %parallel_loop3A_262 = arith.constant 1 : i32
      %parallel_loop3A_263 = vector.broadcast %parallel_loop3A_261 : i32 to vector<16xi32>
      %parallel_loop3A_264 = vector.broadcast %parallel_loop3A_262 : i32 to vector<16xi32>
      %parallel_loop3A_265 = arith.select %parallel_loop3A_254, %parallel_loop3A_263, %parallel_loop3A_264 : vector<16xi1>, vector<16xi32>
      %parallel_loop3A_266 = arith.addi %parallel_loop3A_224, %parallel_loop3A_265 : vector<16xi32>
      %parallel_loop3A_267 = arith.index_cast %parallel_loop3A_222 : i32 to index
      %parallel_loop3A_268 = arith.constant 32 : index
      %parallel_loop3A_269 = tpu.vector_load %arg6[%parallel_loop3A_267, %parallel_loop3A_268] {strides = array<i32>} : memref<200x128xf32, #tpu.memory_space<vmem>>, vector<16xf32>,
      %parallel_loop3A_270 = arith.constant -1.000000e+00 : f32
      %parallel_loop3A_271 = vector.broadcast %parallel_loop3A_270 : f32 to vector<16xf32>
      %parallel_loop3A_272 = arith.cmpf oeq, %parallel_loop3A_269, %parallel_loop3A_271 : vector<16xf32>
      %parallel_loop3A_273 = arith.constant 0.000000e+00 : f32
      %parallel_loop3A_274 = vector.broadcast %parallel_loop3A_273 : f32 to vector<16xf32>
      %parallel_loop3A_275 = arith.select %parallel_loop3A_272, %parallel_loop3A_274, %parallel_loop3A_269 : vector<16xi1>, vector<16xf32>
      %parallel_loop3A_276 = arith.index_cast %parallel_loop3A_222 : i32 to index
      %parallel_loop3A_277 = arith.constant 32 : index
      %parallel_loop3A_278 = tpu.vector_load %arg6[%parallel_loop3A_276, %parallel_loop3A_277] {strides = array<i32>} : memref<200x128xf32, #tpu.memory_space<vmem>>, vector<16xf32>,
      tpu.vector_store %arg6[%parallel_loop3A_276, %parallel_loop3A_277], %parallel_loop3A_275 {strides = array<i32>} : memref<200x128xf32, #tpu.memory_space<vmem>>, vector<16xf32>,
      %parallel_loop3A_279 = arith.constant 0 : i32
      %parallel_loop3A_280 = arith.constant 1 : i32
      %parallel_loop3A_281 = vector.broadcast %parallel_loop3A_279 : i32 to vector<16xi32>
      %parallel_loop3A_282 = vector.broadcast %parallel_loop3A_280 : i32 to vector<16xi32>
      %parallel_loop3A_283 = arith.select %parallel_loop3A_272, %parallel_loop3A_281, %parallel_loop3A_282 : vector<16xi1>, vector<16xi32>
      %parallel_loop3A_284 = arith.addi %parallel_loop3A_225, %parallel_loop3A_283 : vector<16xi32>
      %parallel_loop3A_285 = arith.index_cast %parallel_loop3A_222 : i32 to index
      %parallel_loop3A_286 = arith.constant 48 : index
      %parallel_loop3A_287 = tpu.vector_load %arg6[%parallel_loop3A_285, %parallel_loop3A_286] {strides = array<i32>} : memref<200x128xf32, #tpu.memory_space<vmem>>, vector<16xf32>,
      %parallel_loop3A_288 = arith.constant -1.000000e+00 : f32
      %parallel_loop3A_289 = vector.broadcast %parallel_loop3A_288 : f32 to vector<16xf32>
      %parallel_loop3A_290 = arith.cmpf oeq, %parallel_loop3A_287, %parallel_loop3A_289 : vector<16xf32>
      %parallel_loop3A_291 = arith.constant 0.000000e+00 : f32
      %parallel_loop3A_292 = vector.broadcast %parallel_loop3A_291 : f32 to vector<16xf32>
      %parallel_loop3A_293 = arith.select %parallel_loop3A_290, %parallel_loop3A_292, %parallel_loop3A_287 : vector<16xi1>, vector<16xf32>
      %parallel_loop3A_294 = arith.index_cast %parallel_loop3A_222 : i32 to index
      %parallel_loop3A_295 = arith.constant 48 : index
      %parallel_loop3A_296 = tpu.vector_load %arg6[%parallel_loop3A_294, %parallel_loop3A_295] {strides = array<i32>} : memref<200x128xf32, #tpu.memory_space<vmem>>, vector<16xf32>,
      tpu.vector_store %arg6[%parallel_loop3A_294, %parallel_loop3A_295], %parallel_loop3A_293 {strides = array<i32>} : memref<200x128xf32, #tpu.memory_space<vmem>>, vector<16xf32>,
      %parallel_loop3A_297 = arith.constant 0 : i32
      %parallel_loop3A_298 = arith.constant 1 : i32
      %parallel_loop3A_299 = vector.broadcast %parallel_loop3A_297 : i32 to vector<16xi32>
      %parallel_loop3A_300 = vector.broadcast %parallel_loop3A_298 : i32 to vector<16xi32>
      %parallel_loop3A_301 = arith.select %parallel_loop3A_290, %parallel_loop3A_299, %parallel_loop3A_300 : vector<16xi1>, vector<16xi32>
      %parallel_loop3A_302 = arith.addi %parallel_loop3A_226, %parallel_loop3A_301 : vector<16xi32>
      %parallel_loop3A_303 = arith.index_cast %parallel_loop3A_222 : i32 to index
      %parallel_loop3A_304 = arith.constant 64 : index
      %parallel_loop3A_305 = tpu.vector_load %arg6[%parallel_loop3A_303, %parallel_loop3A_304] {strides = array<i32>} : memref<200x128xf32, #tpu.memory_space<vmem>>, vector<16xf32>,
      %parallel_loop3A_306 = arith.constant -1.000000e+00 : f32
      %parallel_loop3A_307 = vector.broadcast %parallel_loop3A_306 : f32 to vector<16xf32>
      %parallel_loop3A_308 = arith.cmpf oeq, %parallel_loop3A_305, %parallel_loop3A_307 : vector<16xf32>
      %parallel_loop3A_309 = arith.constant 0.000000e+00 : f32
      %parallel_loop3A_310 = vector.broadcast %parallel_loop3A_309 : f32 to vector<16xf32>
      %parallel_loop3A_311 = arith.select %parallel_loop3A_308, %parallel_loop3A_310, %parallel_loop3A_305 : vector<16xi1>, vector<16xf32>
      %parallel_loop3A_312 = arith.index_cast %parallel_loop3A_222 : i32 to index
      %parallel_loop3A_313 = arith.constant 64 : index
      %parallel_loop3A_314 = tpu.vector_load %arg6[%parallel_loop3A_312, %parallel_loop3A_313] {strides = array<i32>} : memref<200x128xf32, #tpu.memory_space<vmem>>, vector<16xf32>,
      tpu.vector_store %arg6[%parallel_loop3A_312, %parallel_loop3A_313], %parallel_loop3A_311 {strides = array<i32>} : memref<200x128xf32, #tpu.memory_space<vmem>>, vector<16xf32>,
      %parallel_loop3A_315 = arith.constant 0 : i32
      %parallel_loop3A_316 = arith.constant 1 : i32
      %parallel_loop3A_317 = vector.broadcast %parallel_loop3A_315 : i32 to vector<16xi32>
      %parallel_loop3A_318 = vector.broadcast %parallel_loop3A_316 : i32 to vector<16xi32>
      %parallel_loop3A_319 = arith.select %parallel_loop3A_308, %parallel_loop3A_317, %parallel_loop3A_318 : vector<16xi1>, vector<16xi32>
      %parallel_loop3A_320 = arith.addi %parallel_loop3A_227, %parallel_loop3A_319 : vector<16xi32>
      %parallel_loop3A_321 = arith.index_cast %parallel_loop3A_222 : i32 to index
      %parallel_loop3A_322 = arith.constant 80 : index
      %parallel_loop3A_323 = tpu.vector_load %arg6[%parallel_loop3A_321, %parallel_loop3A_322] {strides = array<i32>} : memref<200x128xf32, #tpu.memory_space<vmem>>, vector<16xf32>,
      %parallel_loop3A_324 = arith.constant -1.000000e+00 : f32
      %parallel_loop3A_325 = vector.broadcast %parallel_loop3A_324 : f32 to vector<16xf32>
      %parallel_loop3A_326 = arith.cmpf oeq, %parallel_loop3A_323, %parallel_loop3A_325 : vector<16xf32>
      %parallel_loop3A_327 = arith.constant 0.000000e+00 : f32
      %parallel_loop3A_328 = vector.broadcast %parallel_loop3A_327 : f32 to vector<16xf32>
      %parallel_loop3A_329 = arith.select %parallel_loop3A_326, %parallel_loop3A_328, %parallel_loop3A_323 : vector<16xi1>, vector<16xf32>
      %parallel_loop3A_330 = arith.index_cast %parallel_loop3A_222 : i32 to index
      %parallel_loop3A_331 = arith.constant 80 : index
      %parallel_loop3A_332 = tpu.vector_load %arg6[%parallel_loop3A_330, %parallel_loop3A_331] {strides = array<i32>} : memref<200x128xf32, #tpu.memory_space<vmem>>, vector<16xf32>,
      tpu.vector_store %arg6[%parallel_loop3A_330, %parallel_loop3A_331], %parallel_loop3A_329 {strides = array<i32>} : memref<200x128xf32, #tpu.memory_space<vmem>>, vector<16xf32>,
      %parallel_loop3A_333 = arith.constant 0 : i32
      %parallel_loop3A_334 = arith.constant 1 : i32
      %parallel_loop3A_335 = vector.broadcast %parallel_loop3A_333 : i32 to vector<16xi32>
      %parallel_loop3A_336 = vector.broadcast %parallel_loop3A_334 : i32 to vector<16xi32>
      %parallel_loop3A_337 = arith.select %parallel_loop3A_326, %parallel_loop3A_335, %parallel_loop3A_336 : vector<16xi1>, vector<16xi32>
      %parallel_loop3A_338 = arith.addi %parallel_loop3A_228, %parallel_loop3A_337 : vector<16xi32>
      %parallel_loop3A_339 = arith.index_cast %parallel_loop3A_222 : i32 to index
      %parallel_loop3A_340 = arith.constant 96 : index
      %parallel_loop3A_341 = tpu.vector_load %arg6[%parallel_loop3A_339, %parallel_loop3A_340] {strides = array<i32>} : memref<200x128xf32, #tpu.memory_space<vmem>>, vector<16xf32>,
      %parallel_loop3A_342 = arith.constant -1.000000e+00 : f32
      %parallel_loop3A_343 = vector.broadcast %parallel_loop3A_342 : f32 to vector<16xf32>
      %parallel_loop3A_344 = arith.cmpf oeq, %parallel_loop3A_341, %parallel_loop3A_343 : vector<16xf32>
      %parallel_loop3A_345 = arith.constant 0.000000e+00 : f32
      %parallel_loop3A_346 = vector.broadcast %parallel_loop3A_345 : f32 to vector<16xf32>
      %parallel_loop3A_347 = arith.select %parallel_loop3A_344, %parallel_loop3A_346, %parallel_loop3A_341 : vector<16xi1>, vector<16xf32>
      %parallel_loop3A_348 = arith.index_cast %parallel_loop3A_222 : i32 to index
      %parallel_loop3A_349 = arith.constant 96 : index
      %parallel_loop3A_350 = tpu.vector_load %arg6[%parallel_loop3A_348, %parallel_loop3A_349] {strides = array<i32>} : memref<200x128xf32, #tpu.memory_space<vmem>>, vector<16xf32>,
      tpu.vector_store %arg6[%parallel_loop3A_348, %parallel_loop3A_349], %parallel_loop3A_347 {strides = array<i32>} : memref<200x128xf32, #tpu.memory_space<vmem>>, vector<16xf32>,
      %parallel_loop3A_351 = arith.constant 0 : i32
      %parallel_loop3A_352 = arith.constant 1 : i32
      %parallel_loop3A_353 = vector.broadcast %parallel_loop3A_351 : i32 to vector<16xi32>
      %parallel_loop3A_354 = vector.broadcast %parallel_loop3A_352 : i32 to vector<16xi32>
      %parallel_loop3A_355 = arith.select %parallel_loop3A_344, %parallel_loop3A_353, %parallel_loop3A_354 : vector<16xi1>, vector<16xi32>
      %parallel_loop3A_356 = arith.addi %parallel_loop3A_229, %parallel_loop3A_355 : vector<16xi32>
      %parallel_loop3A_357 = arith.index_cast %parallel_loop3A_222 : i32 to index
      %parallel_loop3A_358 = arith.constant 112 : index
      %parallel_loop3A_359 = tpu.vector_load %arg6[%parallel_loop3A_357, %parallel_loop3A_358] {strides = array<i32>} : memref<200x128xf32, #tpu.memory_space<vmem>>, vector<16xf32>,
      %parallel_loop3A_360 = arith.constant -1.000000e+00 : f32
      %parallel_loop3A_361 = vector.broadcast %parallel_loop3A_360 : f32 to vector<16xf32>
      %parallel_loop3A_362 = arith.cmpf oeq, %parallel_loop3A_359, %parallel_loop3A_361 : vector<16xf32>
      %parallel_loop3A_363 = arith.constant 0.000000e+00 : f32
      %parallel_loop3A_364 = vector.broadcast %parallel_loop3A_363 : f32 to vector<16xf32>
      %parallel_loop3A_365 = arith.select %parallel_loop3A_362, %parallel_loop3A_364, %parallel_loop3A_359 : vector<16xi1>, vector<16xf32>
      %parallel_loop3A_366 = arith.index_cast %parallel_loop3A_222 : i32 to index
      %parallel_loop3A_367 = arith.constant 112 : index
      %parallel_loop3A_368 = tpu.vector_load %arg6[%parallel_loop3A_366, %parallel_loop3A_367] {strides = array<i32>} : memref<200x128xf32, #tpu.memory_space<vmem>>, vector<16xf32>,
      tpu.vector_store %arg6[%parallel_loop3A_366, %parallel_loop3A_367], %parallel_loop3A_365 {strides = array<i32>} : memref<200x128xf32, #tpu.memory_space<vmem>>, vector<16xf32>,
      %parallel_loop3A_369 = arith.constant 0 : i32
      %parallel_loop3A_370 = arith.constant 1 : i32
      %parallel_loop3A_371 = vector.broadcast %parallel_loop3A_369 : i32 to vector<16xi32>
      %parallel_loop3A_372 = vector.broadcast %parallel_loop3A_370 : i32 to vector<16xi32>
      %parallel_loop3A_373 = arith.select %parallel_loop3A_362, %parallel_loop3A_371, %parallel_loop3A_372 : vector<16xi1>, vector<16xi32>
      %parallel_loop3A_374 = arith.addi %parallel_loop3A_230, %parallel_loop3A_373 : vector<16xi32>
      scf.yield %parallel_loop3A_248, %parallel_loop3A_266, %parallel_loop3A_284, %parallel_loop3A_302, %parallel_loop3A_320, %parallel_loop3A_338, %parallel_loop3A_356, %parallel_loop3A_374 : vector<16xi32>, vector<16xi32>, vector<16xi32>, vector<16xi32>, vector<16xi32>, vector<16xi32>, vector<16xi32>, vector<16xi32>
    } {sc.loop_unroll_factor = 1 : i64, sc.parallel_access}
    %swap3A_92 = arith.constant 128 : index
    %swap3A_93 = tpu.vector_load %arg9[%swap3A_92] {strides = array<i32>} : memref<512xi32, #tpu.memory_space<vmem>>, vector<16xi32>,
    tpu.vector_store %arg9[%swap3A_92], %parallel_loop3A_91#0 {strides = array<i32>} : memref<512xi32, #tpu.memory_space<vmem>>, vector<16xi32>,
    %swap3A_94 = arith.constant 144 : index
    %swap3A_95 = tpu.vector_load %arg9[%swap3A_94] {strides = array<i32>} : memref<512xi32, #tpu.memory_space<vmem>>, vector<16xi32>,
    tpu.vector_store %arg9[%swap3A_94], %parallel_loop3A_91#1 {strides = array<i32>} : memref<512xi32, #tpu.memory_space<vmem>>, vector<16xi32>,
    %swap3A_96 = arith.constant 160 : index
    %swap3A_97 = tpu.vector_load %arg9[%swap3A_96] {strides = array<i32>} : memref<512xi32, #tpu.memory_space<vmem>>, vector<16xi32>,
    tpu.vector_store %arg9[%swap3A_96], %parallel_loop3A_91#2 {strides = array<i32>} : memref<512xi32, #tpu.memory_space<vmem>>, vector<16xi32>,
    %swap3A_98 = arith.constant 176 : index
    %swap3A_99 = tpu.vector_load %arg9[%swap3A_98] {strides = array<i32>} : memref<512xi32, #tpu.memory_space<vmem>>, vector<16xi32>,
    tpu.vector_store %arg9[%swap3A_98], %parallel_loop3A_91#3 {strides = array<i32>} : memref<512xi32, #tpu.memory_space<vmem>>, vector<16xi32>,
    %swap3A_100 = arith.constant 192 : index
    %swap3A_101 = tpu.vector_load %arg9[%swap3A_100] {strides = array<i32>} : memref<512xi32, #tpu.memory_space<vmem>>, vector<16xi32>,
    tpu.vector_store %arg9[%swap3A_100], %parallel_loop3A_91#4 {strides = array<i32>} : memref<512xi32, #tpu.memory_space<vmem>>, vector<16xi32>,
    %swap3A_102 = arith.constant 208 : index
    %swap3A_103 = tpu.vector_load %arg9[%swap3A_102] {strides = array<i32>} : memref<512xi32, #tpu.memory_space<vmem>>, vector<16xi32>,
    tpu.vector_store %arg9[%swap3A_102], %parallel_loop3A_91#5 {strides = array<i32>} : memref<512xi32, #tpu.memory_space<vmem>>, vector<16xi32>,
    %swap3A_104 = arith.constant 224 : index
    %swap3A_105 = tpu.vector_load %arg9[%swap3A_104] {strides = array<i32>} : memref<512xi32, #tpu.memory_space<vmem>>, vector<16xi32>,
    tpu.vector_store %arg9[%swap3A_104], %parallel_loop3A_91#6 {strides = array<i32>} : memref<512xi32, #tpu.memory_space<vmem>>, vector<16xi32>,
    %swap3A_106 = arith.constant 240 : index
    %swap3A_107 = tpu.vector_load %arg9[%swap3A_106] {strides = array<i32>} : memref<512xi32, #tpu.memory_space<vmem>>, vector<16xi32>,
    tpu.vector_store %arg9[%swap3A_106], %parallel_loop3A_91#7 {strides = array<i32>} : memref<512xi32, #tpu.memory_space<vmem>>, vector<16xi32>,
    %add3A_108 = arith.constant 128 : i32
    %add3A_109 = arith.addi %mul3A_2, %add3A_108 : i32
    %dma_start3A_110 = arith.constant 0 : i32
    %dma_start3A_111 = tpu.memref_slice %arg3[%dma_start3A_110, %add3A_109] : memref<200x16384xf32, #tpu.memory_space<hbm>> -> memref<200x128xf32, #tpu.memory_space<hbm>>
    %dma_start3A_112 = arith.constant 0 : i32
    %dma_start3A_113 = tpu.memref_slice %arg3[%dma_start3A_112, %add3A_109] : memref<200x16384xf32, #tpu.memory_space<hbm>> -> memref<200x128xf32, #tpu.memory_space<hbm>>
    tpu.enqueue_dma source(%arg6 : memref<200x128xf32, #tpu.memory_space<vmem>>) target(%dma_start3A_113 : memref<200x128xf32, #tpu.memory_space<hbm>>) target_semaphore(%arg11 : memref<!tpu.dma_semaphore, #tpu.memory_space<semaphore_mem>>)
    %dma_wait3A_114 = arith.constant 0 : i32
    %dma_wait3A_115 = tpu.memref_slice %arg2[%dma_wait3A_114, %add3A_15] : memref<200x16384xf32, #tpu.memory_space<hbm>> -> memref<200x128xf32, #tpu.memory_space<hbm>>
    %dma_wait3A_116 = arith.constant 0 : i32
    %dma_wait3A_117 = tpu.memref_slice %arg2[%dma_wait3A_116, %add3A_15] : memref<200x16384xf32, #tpu.memory_space<hbm>> -> memref<200x128xf32, #tpu.memory_space<hbm>>
    tpu.wait_dma2 semaphore(%arg12 : memref<!tpu.dma_semaphore, #tpu.memory_space<semaphore_mem>>) src(%dma_wait3A_117 : memref<200x128xf32, #tpu.memory_space<hbm>>) dst(%arg7 : memref<200x128xf32, #tpu.memory_space<vmem>>)
    %broadcast_in_dim3A_118 = arith.constant 0 : i32
    %broadcast_in_dim3A_119 = vector.broadcast %broadcast_in_dim3A_118 : i32 to vector<16xi32>
    %broadcast_in_dim3A_120 = arith.constant 0 : i32
    %broadcast_in_dim3A_121 = vector.broadcast %broadcast_in_dim3A_120 : i32 to vector<16xi32>
    %broadcast_in_dim3A_122 = arith.constant 0 : i32
    %broadcast_in_dim3A_123 = vector.broadcast %broadcast_in_dim3A_122 : i32 to vector<16xi32>
    %broadcast_in_dim3A_124 = arith.constant 0 : i32
    %broadcast_in_dim3A_125 = vector.broadcast %broadcast_in_dim3A_124 : i32 to vector<16xi32>
    %broadcast_in_dim3A_126 = arith.constant 0 : i32
    %broadcast_in_dim3A_127 = vector.broadcast %broadcast_in_dim3A_126 : i32 to vector<16xi32>
    %broadcast_in_dim3A_128 = arith.constant 0 : i32
    %broadcast_in_dim3A_129 = vector.broadcast %broadcast_in_dim3A_128 : i32 to vector<16xi32>
    %broadcast_in_dim3A_130 = arith.constant 0 : i32
    %broadcast_in_dim3A_131 = vector.broadcast %broadcast_in_dim3A_130 : i32 to vector<16xi32>
    %broadcast_in_dim3A_132 = arith.constant 0 : i32
    %broadcast_in_dim3A_133 = vector.broadcast %broadcast_in_dim3A_132 : i32 to vector<16xi32>
    %parallel_loop3A_134 = arith.constant 0 : i32
    %parallel_loop3A_135 = arith.constant 200 : i32
    %parallel_loop3A_136 = arith.constant 1 : i32
    %parallel_loop3A_137:8 = scf.for %parallel_loop3A_222 = %parallel_loop3A_134 to %parallel_loop3A_135 step %parallel_loop3A_136 iter_args(%parallel_loop3A_223 = %broadcast_in_dim3A_119, %parallel_loop3A_224 = %broadcast_in_dim3A_121, %parallel_loop3A_225 = %broadcast_in_dim3A_123, %parallel_loop3A_226 = %broadcast_in_dim3A_125, %parallel_loop3A_227 = %broadcast_in_dim3A_127, %parallel_loop3A_228 = %broadcast_in_dim3A_129, %parallel_loop3A_229 = %broadcast_in_dim3A_131, %parallel_loop3A_230 = %broadcast_in_dim3A_133) -> (vector<16xi32>, vector<16xi32>, vector<16xi32>, vector<16xi32>, vector<16xi32>, vector<16xi32>, vector<16xi32>, vector<16xi32>)  : i32 {
      %parallel_loop3A_231 = arith.index_cast %parallel_loop3A_222 : i32 to index
      %parallel_loop3A_232 = arith.constant 0 : index
      %parallel_loop3A_233 = tpu.vector_load %arg7[%parallel_loop3A_231, %parallel_loop3A_232] {strides = array<i32>} : memref<200x128xf32, #tpu.memory_space<vmem>>, vector<16xf32>,
      %parallel_loop3A_234 = arith.constant -1.000000e+00 : f32
      %parallel_loop3A_235 = vector.broadcast %parallel_loop3A_234 : f32 to vector<16xf32>
      %parallel_loop3A_236 = arith.cmpf oeq, %parallel_loop3A_233, %parallel_loop3A_235 : vector<16xf32>
      %parallel_loop3A_237 = arith.constant 0.000000e+00 : f32
      %parallel_loop3A_238 = vector.broadcast %parallel_loop3A_237 : f32 to vector<16xf32>
      %parallel_loop3A_239 = arith.select %parallel_loop3A_236, %parallel_loop3A_238, %parallel_loop3A_233 : vector<16xi1>, vector<16xf32>
      %parallel_loop3A_240 = arith.index_cast %parallel_loop3A_222 : i32 to index
      %parallel_loop3A_241 = arith.constant 0 : index
      %parallel_loop3A_242 = tpu.vector_load %arg7[%parallel_loop3A_240, %parallel_loop3A_241] {strides = array<i32>} : memref<200x128xf32, #tpu.memory_space<vmem>>, vector<16xf32>,
      tpu.vector_store %arg7[%parallel_loop3A_240, %parallel_loop3A_241], %parallel_loop3A_239 {strides = array<i32>} : memref<200x128xf32, #tpu.memory_space<vmem>>, vector<16xf32>,
      %parallel_loop3A_243 = arith.constant 0 : i32
      %parallel_loop3A_244 = arith.constant 1 : i32
      %parallel_loop3A_245 = vector.broadcast %parallel_loop3A_243 : i32 to vector<16xi32>
      %parallel_loop3A_246 = vector.broadcast %parallel_loop3A_244 : i32 to vector<16xi32>
      %parallel_loop3A_247 = arith.select %parallel_loop3A_236, %parallel_loop3A_245, %parallel_loop3A_246 : vector<16xi1>, vector<16xi32>
      %parallel_loop3A_248 = arith.addi %parallel_loop3A_223, %parallel_loop3A_247 : vector<16xi32>
      %parallel_loop3A_249 = arith.index_cast %parallel_loop3A_222 : i32 to index
      %parallel_loop3A_250 = arith.constant 16 : index
      %parallel_loop3A_251 = tpu.vector_load %arg7[%parallel_loop3A_249, %parallel_loop3A_250] {strides = array<i32>} : memref<200x128xf32, #tpu.memory_space<vmem>>, vector<16xf32>,
      %parallel_loop3A_252 = arith.constant -1.000000e+00 : f32
      %parallel_loop3A_253 = vector.broadcast %parallel_loop3A_252 : f32 to vector<16xf32>
      %parallel_loop3A_254 = arith.cmpf oeq, %parallel_loop3A_251, %parallel_loop3A_253 : vector<16xf32>
      %parallel_loop3A_255 = arith.constant 0.000000e+00 : f32
      %parallel_loop3A_256 = vector.broadcast %parallel_loop3A_255 : f32 to vector<16xf32>
      %parallel_loop3A_257 = arith.select %parallel_loop3A_254, %parallel_loop3A_256, %parallel_loop3A_251 : vector<16xi1>, vector<16xf32>
      %parallel_loop3A_258 = arith.index_cast %parallel_loop3A_222 : i32 to index
      %parallel_loop3A_259 = arith.constant 16 : index
      %parallel_loop3A_260 = tpu.vector_load %arg7[%parallel_loop3A_258, %parallel_loop3A_259] {strides = array<i32>} : memref<200x128xf32, #tpu.memory_space<vmem>>, vector<16xf32>,
      tpu.vector_store %arg7[%parallel_loop3A_258, %parallel_loop3A_259], %parallel_loop3A_257 {strides = array<i32>} : memref<200x128xf32, #tpu.memory_space<vmem>>, vector<16xf32>,
      %parallel_loop3A_261 = arith.constant 0 : i32
      %parallel_loop3A_262 = arith.constant 1 : i32
      %parallel_loop3A_263 = vector.broadcast %parallel_loop3A_261 : i32 to vector<16xi32>
      %parallel_loop3A_264 = vector.broadcast %parallel_loop3A_262 : i32 to vector<16xi32>
      %parallel_loop3A_265 = arith.select %parallel_loop3A_254, %parallel_loop3A_263, %parallel_loop3A_264 : vector<16xi1>, vector<16xi32>
      %parallel_loop3A_266 = arith.addi %parallel_loop3A_224, %parallel_loop3A_265 : vector<16xi32>
      %parallel_loop3A_267 = arith.index_cast %parallel_loop3A_222 : i32 to index
      %parallel_loop3A_268 = arith.constant 32 : index
      %parallel_loop3A_269 = tpu.vector_load %arg7[%parallel_loop3A_267, %parallel_loop3A_268] {strides = array<i32>} : memref<200x128xf32, #tpu.memory_space<vmem>>, vector<16xf32>,
      %parallel_loop3A_270 = arith.constant -1.000000e+00 : f32
      %parallel_loop3A_271 = vector.broadcast %parallel_loop3A_270 : f32 to vector<16xf32>
      %parallel_loop3A_272 = arith.cmpf oeq, %parallel_loop3A_269, %parallel_loop3A_271 : vector<16xf32>
      %parallel_loop3A_273 = arith.constant 0.000000e+00 : f32
      %parallel_loop3A_274 = vector.broadcast %parallel_loop3A_273 : f32 to vector<16xf32>
      %parallel_loop3A_275 = arith.select %parallel_loop3A_272, %parallel_loop3A_274, %parallel_loop3A_269 : vector<16xi1>, vector<16xf32>
      %parallel_loop3A_276 = arith.index_cast %parallel_loop3A_222 : i32 to index
      %parallel_loop3A_277 = arith.constant 32 : index
      %parallel_loop3A_278 = tpu.vector_load %arg7[%parallel_loop3A_276, %parallel_loop3A_277] {strides = array<i32>} : memref<200x128xf32, #tpu.memory_space<vmem>>, vector<16xf32>,
      tpu.vector_store %arg7[%parallel_loop3A_276, %parallel_loop3A_277], %parallel_loop3A_275 {strides = array<i32>} : memref<200x128xf32, #tpu.memory_space<vmem>>, vector<16xf32>,
      %parallel_loop3A_279 = arith.constant 0 : i32
      %parallel_loop3A_280 = arith.constant 1 : i32
      %parallel_loop3A_281 = vector.broadcast %parallel_loop3A_279 : i32 to vector<16xi32>
      %parallel_loop3A_282 = vector.broadcast %parallel_loop3A_280 : i32 to vector<16xi32>
      %parallel_loop3A_283 = arith.select %parallel_loop3A_272, %parallel_loop3A_281, %parallel_loop3A_282 : vector<16xi1>, vector<16xi32>
      %parallel_loop3A_284 = arith.addi %parallel_loop3A_225, %parallel_loop3A_283 : vector<16xi32>
      %parallel_loop3A_285 = arith.index_cast %parallel_loop3A_222 : i32 to index
      %parallel_loop3A_286 = arith.constant 48 : index
      %parallel_loop3A_287 = tpu.vector_load %arg7[%parallel_loop3A_285, %parallel_loop3A_286] {strides = array<i32>} : memref<200x128xf32, #tpu.memory_space<vmem>>, vector<16xf32>,
      %parallel_loop3A_288 = arith.constant -1.000000e+00 : f32
      %parallel_loop3A_289 = vector.broadcast %parallel_loop3A_288 : f32 to vector<16xf32>
      %parallel_loop3A_290 = arith.cmpf oeq, %parallel_loop3A_287, %parallel_loop3A_289 : vector<16xf32>
      %parallel_loop3A_291 = arith.constant 0.000000e+00 : f32
      %parallel_loop3A_292 = vector.broadcast %parallel_loop3A_291 : f32 to vector<16xf32>
      %parallel_loop3A_293 = arith.select %parallel_loop3A_290, %parallel_loop3A_292, %parallel_loop3A_287 : vector<16xi1>, vector<16xf32>
      %parallel_loop3A_294 = arith.index_cast %parallel_loop3A_222 : i32 to index
      %parallel_loop3A_295 = arith.constant 48 : index
      %parallel_loop3A_296 = tpu.vector_load %arg7[%parallel_loop3A_294, %parallel_loop3A_295] {strides = array<i32>} : memref<200x128xf32, #tpu.memory_space<vmem>>, vector<16xf32>,
      tpu.vector_store %arg7[%parallel_loop3A_294, %parallel_loop3A_295], %parallel_loop3A_293 {strides = array<i32>} : memref<200x128xf32, #tpu.memory_space<vmem>>, vector<16xf32>,
      %parallel_loop3A_297 = arith.constant 0 : i32
      %parallel_loop3A_298 = arith.constant 1 : i32
      %parallel_loop3A_299 = vector.broadcast %parallel_loop3A_297 : i32 to vector<16xi32>
      %parallel_loop3A_300 = vector.broadcast %parallel_loop3A_298 : i32 to vector<16xi32>
      %parallel_loop3A_301 = arith.select %parallel_loop3A_290, %parallel_loop3A_299, %parallel_loop3A_300 : vector<16xi1>, vector<16xi32>
      %parallel_loop3A_302 = arith.addi %parallel_loop3A_226, %parallel_loop3A_301 : vector<16xi32>
      %parallel_loop3A_303 = arith.index_cast %parallel_loop3A_222 : i32 to index
      %parallel_loop3A_304 = arith.constant 64 : index
      %parallel_loop3A_305 = tpu.vector_load %arg7[%parallel_loop3A_303, %parallel_loop3A_304] {strides = array<i32>} : memref<200x128xf32, #tpu.memory_space<vmem>>, vector<16xf32>,
      %parallel_loop3A_306 = arith.constant -1.000000e+00 : f32
      %parallel_loop3A_307 = vector.broadcast %parallel_loop3A_306 : f32 to vector<16xf32>
      %parallel_loop3A_308 = arith.cmpf oeq, %parallel_loop3A_305, %parallel_loop3A_307 : vector<16xf32>
      %parallel_loop3A_309 = arith.constant 0.000000e+00 : f32
      %parallel_loop3A_310 = vector.broadcast %parallel_loop3A_309 : f32 to vector<16xf32>
      %parallel_loop3A_311 = arith.select %parallel_loop3A_308, %parallel_loop3A_310, %parallel_loop3A_305 : vector<16xi1>, vector<16xf32>
      %parallel_loop3A_312 = arith.index_cast %parallel_loop3A_222 : i32 to index
      %parallel_loop3A_313 = arith.constant 64 : index
      %parallel_loop3A_314 = tpu.vector_load %arg7[%parallel_loop3A_312, %parallel_loop3A_313] {strides = array<i32>} : memref<200x128xf32, #tpu.memory_space<vmem>>, vector<16xf32>,
      tpu.vector_store %arg7[%parallel_loop3A_312, %parallel_loop3A_313], %parallel_loop3A_311 {strides = array<i32>} : memref<200x128xf32, #tpu.memory_space<vmem>>, vector<16xf32>,
      %parallel_loop3A_315 = arith.constant 0 : i32
      %parallel_loop3A_316 = arith.constant 1 : i32
      %parallel_loop3A_317 = vector.broadcast %parallel_loop3A_315 : i32 to vector<16xi32>
      %parallel_loop3A_318 = vector.broadcast %parallel_loop3A_316 : i32 to vector<16xi32>
      %parallel_loop3A_319 = arith.select %parallel_loop3A_308, %parallel_loop3A_317, %parallel_loop3A_318 : vector<16xi1>, vector<16xi32>
      %parallel_loop3A_320 = arith.addi %parallel_loop3A_227, %parallel_loop3A_319 : vector<16xi32>
      %parallel_loop3A_321 = arith.index_cast %parallel_loop3A_222 : i32 to index
      %parallel_loop3A_322 = arith.constant 80 : index
      %parallel_loop3A_323 = tpu.vector_load %arg7[%parallel_loop3A_321, %parallel_loop3A_322] {strides = array<i32>} : memref<200x128xf32, #tpu.memory_space<vmem>>, vector<16xf32>,
      %parallel_loop3A_324 = arith.constant -1.000000e+00 : f32
      %parallel_loop3A_325 = vector.broadcast %parallel_loop3A_324 : f32 to vector<16xf32>
      %parallel_loop3A_326 = arith.cmpf oeq, %parallel_loop3A_323, %parallel_loop3A_325 : vector<16xf32>
      %parallel_loop3A_327 = arith.constant 0.000000e+00 : f32
      %parallel_loop3A_328 = vector.broadcast %parallel_loop3A_327 : f32 to vector<16xf32>
      %parallel_loop3A_329 = arith.select %parallel_loop3A_326, %parallel_loop3A_328, %parallel_loop3A_323 : vector<16xi1>, vector<16xf32>
      %parallel_loop3A_330 = arith.index_cast %parallel_loop3A_222 : i32 to index
      %parallel_loop3A_331 = arith.constant 80 : index
      %parallel_loop3A_332 = tpu.vector_load %arg7[%parallel_loop3A_330, %parallel_loop3A_331] {strides = array<i32>} : memref<200x128xf32, #tpu.memory_space<vmem>>, vector<16xf32>,
      tpu.vector_store %arg7[%parallel_loop3A_330, %parallel_loop3A_331], %parallel_loop3A_329 {strides = array<i32>} : memref<200x128xf32, #tpu.memory_space<vmem>>, vector<16xf32>,
      %parallel_loop3A_333 = arith.constant 0 : i32
      %parallel_loop3A_334 = arith.constant 1 : i32
      %parallel_loop3A_335 = vector.broadcast %parallel_loop3A_333 : i32 to vector<16xi32>
      %parallel_loop3A_336 = vector.broadcast %parallel_loop3A_334 : i32 to vector<16xi32>
      %parallel_loop3A_337 = arith.select %parallel_loop3A_326, %parallel_loop3A_335, %parallel_loop3A_336 : vector<16xi1>, vector<16xi32>
      %parallel_loop3A_338 = arith.addi %parallel_loop3A_228, %parallel_loop3A_337 : vector<16xi32>
      %parallel_loop3A_339 = arith.index_cast %parallel_loop3A_222 : i32 to index
      %parallel_loop3A_340 = arith.constant 96 : index
      %parallel_loop3A_341 = tpu.vector_load %arg7[%parallel_loop3A_339, %parallel_loop3A_340] {strides = array<i32>} : memref<200x128xf32, #tpu.memory_space<vmem>>, vector<16xf32>,
      %parallel_loop3A_342 = arith.constant -1.000000e+00 : f32
      %parallel_loop3A_343 = vector.broadcast %parallel_loop3A_342 : f32 to vector<16xf32>
      %parallel_loop3A_344 = arith.cmpf oeq, %parallel_loop3A_341, %parallel_loop3A_343 : vector<16xf32>
      %parallel_loop3A_345 = arith.constant 0.000000e+00 : f32
      %parallel_loop3A_346 = vector.broadcast %parallel_loop3A_345 : f32 to vector<16xf32>
      %parallel_loop3A_347 = arith.select %parallel_loop3A_344, %parallel_loop3A_346, %parallel_loop3A_341 : vector<16xi1>, vector<16xf32>
      %parallel_loop3A_348 = arith.index_cast %parallel_loop3A_222 : i32 to index
      %parallel_loop3A_349 = arith.constant 96 : index
      %parallel_loop3A_350 = tpu.vector_load %arg7[%parallel_loop3A_348, %parallel_loop3A_349] {strides = array<i32>} : memref<200x128xf32, #tpu.memory_space<vmem>>, vector<16xf32>,
      tpu.vector_store %arg7[%parallel_loop3A_348, %parallel_loop3A_349], %parallel_loop3A_347 {strides = array<i32>} : memref<200x128xf32, #tpu.memory_space<vmem>>, vector<16xf32>,
      %parallel_loop3A_351 = arith.constant 0 : i32
      %parallel_loop3A_352 = arith.constant 1 : i32
      %parallel_loop3A_353 = vector.broadcast %parallel_loop3A_351 : i32 to vector<16xi32>
      %parallel_loop3A_354 = vector.broadcast %parallel_loop3A_352 : i32 to vector<16xi32>
      %parallel_loop3A_355 = arith.select %parallel_loop3A_344, %parallel_loop3A_353, %parallel_loop3A_354 : vector<16xi1>, vector<16xi32>
      %parallel_loop3A_356 = arith.addi %parallel_loop3A_229, %parallel_loop3A_355 : vector<16xi32>
      %parallel_loop3A_357 = arith.index_cast %parallel_loop3A_222 : i32 to index
      %parallel_loop3A_358 = arith.constant 112 : index
      %parallel_loop3A_359 = tpu.vector_load %arg7[%parallel_loop3A_357, %parallel_loop3A_358] {strides = array<i32>} : memref<200x128xf32, #tpu.memory_space<vmem>>, vector<16xf32>,
      %parallel_loop3A_360 = arith.constant -1.000000e+00 : f32
      %parallel_loop3A_361 = vector.broadcast %parallel_loop3A_360 : f32 to vector<16xf32>
      %parallel_loop3A_362 = arith.cmpf oeq, %parallel_loop3A_359, %parallel_loop3A_361 : vector<16xf32>
      %parallel_loop3A_363 = arith.constant 0.000000e+00 : f32
      %parallel_loop3A_364 = vector.broadcast %parallel_loop3A_363 : f32 to vector<16xf32>
      %parallel_loop3A_365 = arith.select %parallel_loop3A_362, %parallel_loop3A_364, %parallel_loop3A_359 : vector<16xi1>, vector<16xf32>
      %parallel_loop3A_366 = arith.index_cast %parallel_loop3A_222 : i32 to index
      %parallel_loop3A_367 = arith.constant 112 : index
      %parallel_loop3A_368 = tpu.vector_load %arg7[%parallel_loop3A_366, %parallel_loop3A_367] {strides = array<i32>} : memref<200x128xf32, #tpu.memory_space<vmem>>, vector<16xf32>,
      tpu.vector_store %arg7[%parallel_loop3A_366, %parallel_loop3A_367], %parallel_loop3A_365 {strides = array<i32>} : memref<200x128xf32, #tpu.memory_space<vmem>>, vector<16xf32>,
      %parallel_loop3A_369 = arith.constant 0 : i32
      %parallel_loop3A_370 = arith.constant 1 : i32
      %parallel_loop3A_371 = vector.broadcast %parallel_loop3A_369 : i32 to vector<16xi32>
      %parallel_loop3A_372 = vector.broadcast %parallel_loop3A_370 : i32 to vector<16xi32>
      %parallel_loop3A_373 = arith.select %parallel_loop3A_362, %parallel_loop3A_371, %parallel_loop3A_372 : vector<16xi1>, vector<16xi32>
      %parallel_loop3A_374 = arith.addi %parallel_loop3A_230, %parallel_loop3A_373 : vector<16xi32>
      scf.yield %parallel_loop3A_248, %parallel_loop3A_266, %parallel_loop3A_284, %parallel_loop3A_302, %parallel_loop3A_320, %parallel_loop3A_338, %parallel_loop3A_356, %parallel_loop3A_374 : vector<16xi32>, vector<16xi32>, vector<16xi32>, vector<16xi32>, vector<16xi32>, vector<16xi32>, vector<16xi32>, vector<16xi32>
    } {sc.loop_unroll_factor = 1 : i64, sc.parallel_access}
    %swap3A_138 = arith.constant 256 : index
    %swap3A_139 = tpu.vector_load %arg9[%swap3A_138] {strides = array<i32>} : memref<512xi32, #tpu.memory_space<vmem>>, vector<16xi32>,
    tpu.vector_store %arg9[%swap3A_138], %parallel_loop3A_137#0 {strides = array<i32>} : memref<512xi32, #tpu.memory_space<vmem>>, vector<16xi32>,
    %swap3A_140 = arith.constant 272 : index
    %swap3A_141 = tpu.vector_load %arg9[%swap3A_140] {strides = array<i32>} : memref<512xi32, #tpu.memory_space<vmem>>, vector<16xi32>,
    tpu.vector_store %arg9[%swap3A_140], %parallel_loop3A_137#1 {strides = array<i32>} : memref<512xi32, #tpu.memory_space<vmem>>, vector<16xi32>,
    %swap3A_142 = arith.constant 288 : index
    %swap3A_143 = tpu.vector_load %arg9[%swap3A_142] {strides = array<i32>} : memref<512xi32, #tpu.memory_space<vmem>>, vector<16xi32>,
    tpu.vector_store %arg9[%swap3A_142], %parallel_loop3A_137#2 {strides = array<i32>} : memref<512xi32, #tpu.memory_space<vmem>>, vector<16xi32>,
    %swap3A_144 = arith.constant 304 : index
    %swap3A_145 = tpu.vector_load %arg9[%swap3A_144] {strides = array<i32>} : memref<512xi32, #tpu.memory_space<vmem>>, vector<16xi32>,
    tpu.vector_store %arg9[%swap3A_144], %parallel_loop3A_137#3 {strides = array<i32>} : memref<512xi32, #tpu.memory_space<vmem>>, vector<16xi32>,
    %swap3A_146 = arith.constant 320 : index
    %swap3A_147 = tpu.vector_load %arg9[%swap3A_146] {strides = array<i32>} : memref<512xi32, #tpu.memory_space<vmem>>, vector<16xi32>,
    tpu.vector_store %arg9[%swap3A_146], %parallel_loop3A_137#4 {strides = array<i32>} : memref<512xi32, #tpu.memory_space<vmem>>, vector<16xi32>,
    %swap3A_148 = arith.constant 336 : index
    %swap3A_149 = tpu.vector_load %arg9[%swap3A_148] {strides = array<i32>} : memref<512xi32, #tpu.memory_space<vmem>>, vector<16xi32>,
    tpu.vector_store %arg9[%swap3A_148], %parallel_loop3A_137#5 {strides = array<i32>} : memref<512xi32, #tpu.memory_space<vmem>>, vector<16xi32>,
    %swap3A_150 = arith.constant 352 : index
    %swap3A_151 = tpu.vector_load %arg9[%swap3A_150] {strides = array<i32>} : memref<512xi32, #tpu.memory_space<vmem>>, vector<16xi32>,
    tpu.vector_store %arg9[%swap3A_150], %parallel_loop3A_137#6 {strides = array<i32>} : memref<512xi32, #tpu.memory_space<vmem>>, vector<16xi32>,
    %swap3A_152 = arith.constant 368 : index
    %swap3A_153 = tpu.vector_load %arg9[%swap3A_152] {strides = array<i32>} : memref<512xi32, #tpu.memory_space<vmem>>, vector<16xi32>,
    tpu.vector_store %arg9[%swap3A_152], %parallel_loop3A_137#7 {strides = array<i32>} : memref<512xi32, #tpu.memory_space<vmem>>, vector<16xi32>,
    %add3A_154 = arith.constant 256 : i32
    %add3A_155 = arith.addi %mul3A_2, %add3A_154 : i32
    %dma_start3A_156 = arith.constant 0 : i32
    %dma_start3A_157 = tpu.memref_slice %arg3[%dma_start3A_156, %add3A_155] : memref<200x16384xf32, #tpu.memory_space<hbm>> -> memref<200x128xf32, #tpu.memory_space<hbm>>
    %dma_start3A_158 = arith.constant 0 : i32
    %dma_start3A_159 = tpu.memref_slice %arg3[%dma_start3A_158, %add3A_155] : memref<200x16384xf32, #tpu.memory_space<hbm>> -> memref<200x128xf32, #tpu.memory_space<hbm>>
    tpu.enqueue_dma source(%arg7 : memref<200x128xf32, #tpu.memory_space<vmem>>) target(%dma_start3A_159 : memref<200x128xf32, #tpu.memory_space<hbm>>) target_semaphore(%arg12 : memref<!tpu.dma_semaphore, #tpu.memory_space<semaphore_mem>>)
    %dma_wait3A_160 = arith.constant 0 : i32
    %dma_wait3A_161 = tpu.memref_slice %arg2[%dma_wait3A_160, %add3A_63] : memref<200x16384xf32, #tpu.memory_space<hbm>> -> memref<200x128xf32, #tpu.memory_space<hbm>>
    %dma_wait3A_162 = arith.constant 0 : i32
    %dma_wait3A_163 = tpu.memref_slice %arg2[%dma_wait3A_162, %add3A_63] : memref<200x16384xf32, #tpu.memory_space<hbm>> -> memref<200x128xf32, #tpu.memory_space<hbm>>
    tpu.wait_dma2 semaphore(%arg13 : memref<!tpu.dma_semaphore, #tpu.memory_space<semaphore_mem>>) src(%dma_wait3A_163 : memref<200x128xf32, #tpu.memory_space<hbm>>) dst(%arg8 : memref<200x128xf32, #tpu.memory_space<vmem>>)
    %broadcast_in_dim3A_164 = arith.constant 0 : i32
    %broadcast_in_dim3A_165 = vector.broadcast %broadcast_in_dim3A_164 : i32 to vector<16xi32>
    %broadcast_in_dim3A_166 = arith.constant 0 : i32
    %broadcast_in_dim3A_167 = vector.broadcast %broadcast_in_dim3A_166 : i32 to vector<16xi32>
    %broadcast_in_dim3A_168 = arith.constant 0 : i32
    %broadcast_in_dim3A_169 = vector.broadcast %broadcast_in_dim3A_168 : i32 to vector<16xi32>
    %broadcast_in_dim3A_170 = arith.constant 0 : i32
    %broadcast_in_dim3A_171 = vector.broadcast %broadcast_in_dim3A_170 : i32 to vector<16xi32>
    %broadcast_in_dim3A_172 = arith.constant 0 : i32
    %broadcast_in_dim3A_173 = vector.broadcast %broadcast_in_dim3A_172 : i32 to vector<16xi32>
    %broadcast_in_dim3A_174 = arith.constant 0 : i32
    %broadcast_in_dim3A_175 = vector.broadcast %broadcast_in_dim3A_174 : i32 to vector<16xi32>
    %broadcast_in_dim3A_176 = arith.constant 0 : i32
    %broadcast_in_dim3A_177 = vector.broadcast %broadcast_in_dim3A_176 : i32 to vector<16xi32>
    %broadcast_in_dim3A_178 = arith.constant 0 : i32
    %broadcast_in_dim3A_179 = vector.broadcast %broadcast_in_dim3A_178 : i32 to vector<16xi32>
    %parallel_loop3A_180 = arith.constant 0 : i32
    %parallel_loop3A_181 = arith.constant 200 : i32
    %parallel_loop3A_182 = arith.constant 1 : i32
    %parallel_loop3A_183:8 = scf.for %parallel_loop3A_222 = %parallel_loop3A_180 to %parallel_loop3A_181 step %parallel_loop3A_182 iter_args(%parallel_loop3A_223 = %broadcast_in_dim3A_165, %parallel_loop3A_224 = %broadcast_in_dim3A_167, %parallel_loop3A_225 = %broadcast_in_dim3A_169, %parallel_loop3A_226 = %broadcast_in_dim3A_171, %parallel_loop3A_227 = %broadcast_in_dim3A_173, %parallel_loop3A_228 = %broadcast_in_dim3A_175, %parallel_loop3A_229 = %broadcast_in_dim3A_177, %parallel_loop3A_230 = %broadcast_in_dim3A_179) -> (vector<16xi32>, vector<16xi32>, vector<16xi32>, vector<16xi32>, vector<16xi32>, vector<16xi32>, vector<16xi32>, vector<16xi32>)  : i32 {
      %parallel_loop3A_231 = arith.index_cast %parallel_loop3A_222 : i32 to index
      %parallel_loop3A_232 = arith.constant 0 : index
      %parallel_loop3A_233 = tpu.vector_load %arg8[%parallel_loop3A_231, %parallel_loop3A_232] {strides = array<i32>} : memref<200x128xf32, #tpu.memory_space<vmem>>, vector<16xf32>,
      %parallel_loop3A_234 = arith.constant -1.000000e+00 : f32
      %parallel_loop3A_235 = vector.broadcast %parallel_loop3A_234 : f32 to vector<16xf32>
      %parallel_loop3A_236 = arith.cmpf oeq, %parallel_loop3A_233, %parallel_loop3A_235 : vector<16xf32>
      %parallel_loop3A_237 = arith.constant 0.000000e+00 : f32
      %parallel_loop3A_238 = vector.broadcast %parallel_loop3A_237 : f32 to vector<16xf32>
      %parallel_loop3A_239 = arith.select %parallel_loop3A_236, %parallel_loop3A_238, %parallel_loop3A_233 : vector<16xi1>, vector<16xf32>
      %parallel_loop3A_240 = arith.index_cast %parallel_loop3A_222 : i32 to index
      %parallel_loop3A_241 = arith.constant 0 : index
      %parallel_loop3A_242 = tpu.vector_load %arg8[%parallel_loop3A_240, %parallel_loop3A_241] {strides = array<i32>} : memref<200x128xf32, #tpu.memory_space<vmem>>, vector<16xf32>,
      tpu.vector_store %arg8[%parallel_loop3A_240, %parallel_loop3A_241], %parallel_loop3A_239 {strides = array<i32>} : memref<200x128xf32, #tpu.memory_space<vmem>>, vector<16xf32>,
      %parallel_loop3A_243 = arith.constant 0 : i32
      %parallel_loop3A_244 = arith.constant 1 : i32
      %parallel_loop3A_245 = vector.broadcast %parallel_loop3A_243 : i32 to vector<16xi32>
      %parallel_loop3A_246 = vector.broadcast %parallel_loop3A_244 : i32 to vector<16xi32>
      %parallel_loop3A_247 = arith.select %parallel_loop3A_236, %parallel_loop3A_245, %parallel_loop3A_246 : vector<16xi1>, vector<16xi32>
      %parallel_loop3A_248 = arith.addi %parallel_loop3A_223, %parallel_loop3A_247 : vector<16xi32>
      %parallel_loop3A_249 = arith.index_cast %parallel_loop3A_222 : i32 to index
      %parallel_loop3A_250 = arith.constant 16 : index
      %parallel_loop3A_251 = tpu.vector_load %arg8[%parallel_loop3A_249, %parallel_loop3A_250] {strides = array<i32>} : memref<200x128xf32, #tpu.memory_space<vmem>>, vector<16xf32>,
      %parallel_loop3A_252 = arith.constant -1.000000e+00 : f32
      %parallel_loop3A_253 = vector.broadcast %parallel_loop3A_252 : f32 to vector<16xf32>
      %parallel_loop3A_254 = arith.cmpf oeq, %parallel_loop3A_251, %parallel_loop3A_253 : vector<16xf32>
      %parallel_loop3A_255 = arith.constant 0.000000e+00 : f32
      %parallel_loop3A_256 = vector.broadcast %parallel_loop3A_255 : f32 to vector<16xf32>
      %parallel_loop3A_257 = arith.select %parallel_loop3A_254, %parallel_loop3A_256, %parallel_loop3A_251 : vector<16xi1>, vector<16xf32>
      %parallel_loop3A_258 = arith.index_cast %parallel_loop3A_222 : i32 to index
      %parallel_loop3A_259 = arith.constant 16 : index
      %parallel_loop3A_260 = tpu.vector_load %arg8[%parallel_loop3A_258, %parallel_loop3A_259] {strides = array<i32>} : memref<200x128xf32, #tpu.memory_space<vmem>>, vector<16xf32>,
      tpu.vector_store %arg8[%parallel_loop3A_258, %parallel_loop3A_259], %parallel_loop3A_257 {strides = array<i32>} : memref<200x128xf32, #tpu.memory_space<vmem>>, vector<16xf32>,
      %parallel_loop3A_261 = arith.constant 0 : i32
      %parallel_loop3A_262 = arith.constant 1 : i32
      %parallel_loop3A_263 = vector.broadcast %parallel_loop3A_261 : i32 to vector<16xi32>
      %parallel_loop3A_264 = vector.broadcast %parallel_loop3A_262 : i32 to vector<16xi32>
      %parallel_loop3A_265 = arith.select %parallel_loop3A_254, %parallel_loop3A_263, %parallel_loop3A_264 : vector<16xi1>, vector<16xi32>
      %parallel_loop3A_266 = arith.addi %parallel_loop3A_224, %parallel_loop3A_265 : vector<16xi32>
      %parallel_loop3A_267 = arith.index_cast %parallel_loop3A_222 : i32 to index
      %parallel_loop3A_268 = arith.constant 32 : index
      %parallel_loop3A_269 = tpu.vector_load %arg8[%parallel_loop3A_267, %parallel_loop3A_268] {strides = array<i32>} : memref<200x128xf32, #tpu.memory_space<vmem>>, vector<16xf32>,
      %parallel_loop3A_270 = arith.constant -1.000000e+00 : f32
      %parallel_loop3A_271 = vector.broadcast %parallel_loop3A_270 : f32 to vector<16xf32>
      %parallel_loop3A_272 = arith.cmpf oeq, %parallel_loop3A_269, %parallel_loop3A_271 : vector<16xf32>
      %parallel_loop3A_273 = arith.constant 0.000000e+00 : f32
      %parallel_loop3A_274 = vector.broadcast %parallel_loop3A_273 : f32 to vector<16xf32>
      %parallel_loop3A_275 = arith.select %parallel_loop3A_272, %parallel_loop3A_274, %parallel_loop3A_269 : vector<16xi1>, vector<16xf32>
      %parallel_loop3A_276 = arith.index_cast %parallel_loop3A_222 : i32 to index
      %parallel_loop3A_277 = arith.constant 32 : index
      %parallel_loop3A_278 = tpu.vector_load %arg8[%parallel_loop3A_276, %parallel_loop3A_277] {strides = array<i32>} : memref<200x128xf32, #tpu.memory_space<vmem>>, vector<16xf32>,
      tpu.vector_store %arg8[%parallel_loop3A_276, %parallel_loop3A_277], %parallel_loop3A_275 {strides = array<i32>} : memref<200x128xf32, #tpu.memory_space<vmem>>, vector<16xf32>,
      %parallel_loop3A_279 = arith.constant 0 : i32
      %parallel_loop3A_280 = arith.constant 1 : i32
      %parallel_loop3A_281 = vector.broadcast %parallel_loop3A_279 : i32 to vector<16xi32>
      %parallel_loop3A_282 = vector.broadcast %parallel_loop3A_280 : i32 to vector<16xi32>
      %parallel_loop3A_283 = arith.select %parallel_loop3A_272, %parallel_loop3A_281, %parallel_loop3A_282 : vector<16xi1>, vector<16xi32>
      %parallel_loop3A_284 = arith.addi %parallel_loop3A_225, %parallel_loop3A_283 : vector<16xi32>
      %parallel_loop3A_285 = arith.index_cast %parallel_loop3A_222 : i32 to index
      %parallel_loop3A_286 = arith.constant 48 : index
      %parallel_loop3A_287 = tpu.vector_load %arg8[%parallel_loop3A_285, %parallel_loop3A_286] {strides = array<i32>} : memref<200x128xf32, #tpu.memory_space<vmem>>, vector<16xf32>,
      %parallel_loop3A_288 = arith.constant -1.000000e+00 : f32
      %parallel_loop3A_289 = vector.broadcast %parallel_loop3A_288 : f32 to vector<16xf32>
      %parallel_loop3A_290 = arith.cmpf oeq, %parallel_loop3A_287, %parallel_loop3A_289 : vector<16xf32>
      %parallel_loop3A_291 = arith.constant 0.000000e+00 : f32
      %parallel_loop3A_292 = vector.broadcast %parallel_loop3A_291 : f32 to vector<16xf32>
      %parallel_loop3A_293 = arith.select %parallel_loop3A_290, %parallel_loop3A_292, %parallel_loop3A_287 : vector<16xi1>, vector<16xf32>
      %parallel_loop3A_294 = arith.index_cast %parallel_loop3A_222 : i32 to index
      %parallel_loop3A_295 = arith.constant 48 : index
      %parallel_loop3A_296 = tpu.vector_load %arg8[%parallel_loop3A_294, %parallel_loop3A_295] {strides = array<i32>} : memref<200x128xf32, #tpu.memory_space<vmem>>, vector<16xf32>,
      tpu.vector_store %arg8[%parallel_loop3A_294, %parallel_loop3A_295], %parallel_loop3A_293 {strides = array<i32>} : memref<200x128xf32, #tpu.memory_space<vmem>>, vector<16xf32>,
      %parallel_loop3A_297 = arith.constant 0 : i32
      %parallel_loop3A_298 = arith.constant 1 : i32
      %parallel_loop3A_299 = vector.broadcast %parallel_loop3A_297 : i32 to vector<16xi32>
      %parallel_loop3A_300 = vector.broadcast %parallel_loop3A_298 : i32 to vector<16xi32>
      %parallel_loop3A_301 = arith.select %parallel_loop3A_290, %parallel_loop3A_299, %parallel_loop3A_300 : vector<16xi1>, vector<16xi32>
      %parallel_loop3A_302 = arith.addi %parallel_loop3A_226, %parallel_loop3A_301 : vector<16xi32>
      %parallel_loop3A_303 = arith.index_cast %parallel_loop3A_222 : i32 to index
      %parallel_loop3A_304 = arith.constant 64 : index
      %parallel_loop3A_305 = tpu.vector_load %arg8[%parallel_loop3A_303, %parallel_loop3A_304] {strides = array<i32>} : memref<200x128xf32, #tpu.memory_space<vmem>>, vector<16xf32>,
      %parallel_loop3A_306 = arith.constant -1.000000e+00 : f32
      %parallel_loop3A_307 = vector.broadcast %parallel_loop3A_306 : f32 to vector<16xf32>
      %parallel_loop3A_308 = arith.cmpf oeq, %parallel_loop3A_305, %parallel_loop3A_307 : vector<16xf32>
      %parallel_loop3A_309 = arith.constant 0.000000e+00 : f32
      %parallel_loop3A_310 = vector.broadcast %parallel_loop3A_309 : f32 to vector<16xf32>
      %parallel_loop3A_311 = arith.select %parallel_loop3A_308, %parallel_loop3A_310, %parallel_loop3A_305 : vector<16xi1>, vector<16xf32>
      %parallel_loop3A_312 = arith.index_cast %parallel_loop3A_222 : i32 to index
      %parallel_loop3A_313 = arith.constant 64 : index
      %parallel_loop3A_314 = tpu.vector_load %arg8[%parallel_loop3A_312, %parallel_loop3A_313] {strides = array<i32>} : memref<200x128xf32, #tpu.memory_space<vmem>>, vector<16xf32>,
      tpu.vector_store %arg8[%parallel_loop3A_312, %parallel_loop3A_313], %parallel_loop3A_311 {strides = array<i32>} : memref<200x128xf32, #tpu.memory_space<vmem>>, vector<16xf32>,
      %parallel_loop3A_315 = arith.constant 0 : i32
      %parallel_loop3A_316 = arith.constant 1 : i32
      %parallel_loop3A_317 = vector.broadcast %parallel_loop3A_315 : i32 to vector<16xi32>
      %parallel_loop3A_318 = vector.broadcast %parallel_loop3A_316 : i32 to vector<16xi32>
      %parallel_loop3A_319 = arith.select %parallel_loop3A_308, %parallel_loop3A_317, %parallel_loop3A_318 : vector<16xi1>, vector<16xi32>
      %parallel_loop3A_320 = arith.addi %parallel_loop3A_227, %parallel_loop3A_319 : vector<16xi32>
      %parallel_loop3A_321 = arith.index_cast %parallel_loop3A_222 : i32 to index
      %parallel_loop3A_322 = arith.constant 80 : index
      %parallel_loop3A_323 = tpu.vector_load %arg8[%parallel_loop3A_321, %parallel_loop3A_322] {strides = array<i32>} : memref<200x128xf32, #tpu.memory_space<vmem>>, vector<16xf32>,
      %parallel_loop3A_324 = arith.constant -1.000000e+00 : f32
      %parallel_loop3A_325 = vector.broadcast %parallel_loop3A_324 : f32 to vector<16xf32>
      %parallel_loop3A_326 = arith.cmpf oeq, %parallel_loop3A_323, %parallel_loop3A_325 : vector<16xf32>
      %parallel_loop3A_327 = arith.constant 0.000000e+00 : f32
      %parallel_loop3A_328 = vector.broadcast %parallel_loop3A_327 : f32 to vector<16xf32>
      %parallel_loop3A_329 = arith.select %parallel_loop3A_326, %parallel_loop3A_328, %parallel_loop3A_323 : vector<16xi1>, vector<16xf32>
      %parallel_loop3A_330 = arith.index_cast %parallel_loop3A_222 : i32 to index
      %parallel_loop3A_331 = arith.constant 80 : index
      %parallel_loop3A_332 = tpu.vector_load %arg8[%parallel_loop3A_330, %parallel_loop3A_331] {strides = array<i32>} : memref<200x128xf32, #tpu.memory_space<vmem>>, vector<16xf32>,
      tpu.vector_store %arg8[%parallel_loop3A_330, %parallel_loop3A_331], %parallel_loop3A_329 {strides = array<i32>} : memref<200x128xf32, #tpu.memory_space<vmem>>, vector<16xf32>,
      %parallel_loop3A_333 = arith.constant 0 : i32
      %parallel_loop3A_334 = arith.constant 1 : i32
      %parallel_loop3A_335 = vector.broadcast %parallel_loop3A_333 : i32 to vector<16xi32>
      %parallel_loop3A_336 = vector.broadcast %parallel_loop3A_334 : i32 to vector<16xi32>
      %parallel_loop3A_337 = arith.select %parallel_loop3A_326, %parallel_loop3A_335, %parallel_loop3A_336 : vector<16xi1>, vector<16xi32>
      %parallel_loop3A_338 = arith.addi %parallel_loop3A_228, %parallel_loop3A_337 : vector<16xi32>
      %parallel_loop3A_339 = arith.index_cast %parallel_loop3A_222 : i32 to index
      %parallel_loop3A_340 = arith.constant 96 : index
      %parallel_loop3A_341 = tpu.vector_load %arg8[%parallel_loop3A_339, %parallel_loop3A_340] {strides = array<i32>} : memref<200x128xf32, #tpu.memory_space<vmem>>, vector<16xf32>,
      %parallel_loop3A_342 = arith.constant -1.000000e+00 : f32
      %parallel_loop3A_343 = vector.broadcast %parallel_loop3A_342 : f32 to vector<16xf32>
      %parallel_loop3A_344 = arith.cmpf oeq, %parallel_loop3A_341, %parallel_loop3A_343 : vector<16xf32>
      %parallel_loop3A_345 = arith.constant 0.000000e+00 : f32
      %parallel_loop3A_346 = vector.broadcast %parallel_loop3A_345 : f32 to vector<16xf32>
      %parallel_loop3A_347 = arith.select %parallel_loop3A_344, %parallel_loop3A_346, %parallel_loop3A_341 : vector<16xi1>, vector<16xf32>
      %parallel_loop3A_348 = arith.index_cast %parallel_loop3A_222 : i32 to index
      %parallel_loop3A_349 = arith.constant 96 : index
      %parallel_loop3A_350 = tpu.vector_load %arg8[%parallel_loop3A_348, %parallel_loop3A_349] {strides = array<i32>} : memref<200x128xf32, #tpu.memory_space<vmem>>, vector<16xf32>,
      tpu.vector_store %arg8[%parallel_loop3A_348, %parallel_loop3A_349], %parallel_loop3A_347 {strides = array<i32>} : memref<200x128xf32, #tpu.memory_space<vmem>>, vector<16xf32>,
      %parallel_loop3A_351 = arith.constant 0 : i32
      %parallel_loop3A_352 = arith.constant 1 : i32
      %parallel_loop3A_353 = vector.broadcast %parallel_loop3A_351 : i32 to vector<16xi32>
      %parallel_loop3A_354 = vector.broadcast %parallel_loop3A_352 : i32 to vector<16xi32>
      %parallel_loop3A_355 = arith.select %parallel_loop3A_344, %parallel_loop3A_353, %parallel_loop3A_354 : vector<16xi1>, vector<16xi32>
      %parallel_loop3A_356 = arith.addi %parallel_loop3A_229, %parallel_loop3A_355 : vector<16xi32>
      %parallel_loop3A_357 = arith.index_cast %parallel_loop3A_222 : i32 to index
      %parallel_loop3A_358 = arith.constant 112 : index
      %parallel_loop3A_359 = tpu.vector_load %arg8[%parallel_loop3A_357, %parallel_loop3A_358] {strides = array<i32>} : memref<200x128xf32, #tpu.memory_space<vmem>>, vector<16xf32>,
      %parallel_loop3A_360 = arith.constant -1.000000e+00 : f32
      %parallel_loop3A_361 = vector.broadcast %parallel_loop3A_360 : f32 to vector<16xf32>
      %parallel_loop3A_362 = arith.cmpf oeq, %parallel_loop3A_359, %parallel_loop3A_361 : vector<16xf32>
      %parallel_loop3A_363 = arith.constant 0.000000e+00 : f32
      %parallel_loop3A_364 = vector.broadcast %parallel_loop3A_363 : f32 to vector<16xf32>
      %parallel_loop3A_365 = arith.select %parallel_loop3A_362, %parallel_loop3A_364, %parallel_loop3A_359 : vector<16xi1>, vector<16xf32>
      %parallel_loop3A_366 = arith.index_cast %parallel_loop3A_222 : i32 to index
      %parallel_loop3A_367 = arith.constant 112 : index
      %parallel_loop3A_368 = tpu.vector_load %arg8[%parallel_loop3A_366, %parallel_loop3A_367] {strides = array<i32>} : memref<200x128xf32, #tpu.memory_space<vmem>>, vector<16xf32>,
      tpu.vector_store %arg8[%parallel_loop3A_366, %parallel_loop3A_367], %parallel_loop3A_365 {strides = array<i32>} : memref<200x128xf32, #tpu.memory_space<vmem>>, vector<16xf32>,
      %parallel_loop3A_369 = arith.constant 0 : i32
      %parallel_loop3A_370 = arith.constant 1 : i32
      %parallel_loop3A_371 = vector.broadcast %parallel_loop3A_369 : i32 to vector<16xi32>
      %parallel_loop3A_372 = vector.broadcast %parallel_loop3A_370 : i32 to vector<16xi32>
      %parallel_loop3A_373 = arith.select %parallel_loop3A_362, %parallel_loop3A_371, %parallel_loop3A_372 : vector<16xi1>, vector<16xi32>
      %parallel_loop3A_374 = arith.addi %parallel_loop3A_230, %parallel_loop3A_373 : vector<16xi32>
      scf.yield %parallel_loop3A_248, %parallel_loop3A_266, %parallel_loop3A_284, %parallel_loop3A_302, %parallel_loop3A_320, %parallel_loop3A_338, %parallel_loop3A_356, %parallel_loop3A_374 : vector<16xi32>, vector<16xi32>, vector<16xi32>, vector<16xi32>, vector<16xi32>, vector<16xi32>, vector<16xi32>, vector<16xi32>
    } {sc.loop_unroll_factor = 1 : i64, sc.parallel_access}
    %swap3A_184 = arith.constant 384 : index
    %swap3A_185 = tpu.vector_load %arg9[%swap3A_184] {strides = array<i32>} : memref<512xi32, #tpu.memory_space<vmem>>, vector<16xi32>,
    tpu.vector_store %arg9[%swap3A_184], %parallel_loop3A_183#0 {strides = array<i32>} : memref<512xi32, #tpu.memory_space<vmem>>, vector<16xi32>,
    %swap3A_186 = arith.constant 400 : index
    %swap3A_187 = tpu.vector_load %arg9[%swap3A_186] {strides = array<i32>} : memref<512xi32, #tpu.memory_space<vmem>>, vector<16xi32>,
    tpu.vector_store %arg9[%swap3A_186], %parallel_loop3A_183#1 {strides = array<i32>} : memref<512xi32, #tpu.memory_space<vmem>>, vector<16xi32>,
    %swap3A_188 = arith.constant 416 : index
    %swap3A_189 = tpu.vector_load %arg9[%swap3A_188] {strides = array<i32>} : memref<512xi32, #tpu.memory_space<vmem>>, vector<16xi32>,
    tpu.vector_store %arg9[%swap3A_188], %parallel_loop3A_183#2 {strides = array<i32>} : memref<512xi32, #tpu.memory_space<vmem>>, vector<16xi32>,
    %swap3A_190 = arith.constant 432 : index
    %swap3A_191 = tpu.vector_load %arg9[%swap3A_190] {strides = array<i32>} : memref<512xi32, #tpu.memory_space<vmem>>, vector<16xi32>,
    tpu.vector_store %arg9[%swap3A_190], %parallel_loop3A_183#3 {strides = array<i32>} : memref<512xi32, #tpu.memory_space<vmem>>, vector<16xi32>,
    %swap3A_192 = arith.constant 448 : index
    %swap3A_193 = tpu.vector_load %arg9[%swap3A_192] {strides = array<i32>} : memref<512xi32, #tpu.memory_space<vmem>>, vector<16xi32>,
    tpu.vector_store %arg9[%swap3A_192], %parallel_loop3A_183#4 {strides = array<i32>} : memref<512xi32, #tpu.memory_space<vmem>>, vector<16xi32>,
    %swap3A_194 = arith.constant 464 : index
    %swap3A_195 = tpu.vector_load %arg9[%swap3A_194] {strides = array<i32>} : memref<512xi32, #tpu.memory_space<vmem>>, vector<16xi32>,
    tpu.vector_store %arg9[%swap3A_194], %parallel_loop3A_183#5 {strides = array<i32>} : memref<512xi32, #tpu.memory_space<vmem>>, vector<16xi32>,
    %swap3A_196 = arith.constant 480 : index
    %swap3A_197 = tpu.vector_load %arg9[%swap3A_196] {strides = array<i32>} : memref<512xi32, #tpu.memory_space<vmem>>, vector<16xi32>,
    tpu.vector_store %arg9[%swap3A_196], %parallel_loop3A_183#6 {strides = array<i32>} : memref<512xi32, #tpu.memory_space<vmem>>, vector<16xi32>,
    %swap3A_198 = arith.constant 496 : index
    %swap3A_199 = tpu.vector_load %arg9[%swap3A_198] {strides = array<i32>} : memref<512xi32, #tpu.memory_space<vmem>>, vector<16xi32>,
    tpu.vector_store %arg9[%swap3A_198], %parallel_loop3A_183#7 {strides = array<i32>} : memref<512xi32, #tpu.memory_space<vmem>>, vector<16xi32>,
    %add3A_200 = arith.constant 384 : i32
    %add3A_201 = arith.addi %mul3A_2, %add3A_200 : i32
    %dma_start3A_202 = arith.constant 0 : i32
    %dma_start3A_203 = tpu.memref_slice %arg3[%dma_start3A_202, %add3A_201] : memref<200x16384xf32, #tpu.memory_space<hbm>> -> memref<200x128xf32, #tpu.memory_space<hbm>>
    %dma_start3A_204 = arith.constant 0 : i32
    %dma_start3A_205 = tpu.memref_slice %arg3[%dma_start3A_204, %add3A_201] : memref<200x16384xf32, #tpu.memory_space<hbm>> -> memref<200x128xf32, #tpu.memory_space<hbm>>
    tpu.enqueue_dma source(%arg8 : memref<200x128xf32, #tpu.memory_space<vmem>>) target(%dma_start3A_205 : memref<200x128xf32, #tpu.memory_space<hbm>>) target_semaphore(%arg13 : memref<!tpu.dma_semaphore, #tpu.memory_space<semaphore_mem>>)
    %dma_wait3A_206 = arith.constant 0 : i32
    %dma_wait3A_207 = tpu.memref_slice %arg3[%dma_wait3A_206, %add3A_57] : memref<200x16384xf32, #tpu.memory_space<hbm>> -> memref<200x128xf32, #tpu.memory_space<hbm>>
    %dma_wait3A_208 = arith.constant 0 : i32
    %dma_wait3A_209 = tpu.memref_slice %arg3[%dma_wait3A_208, %add3A_57] : memref<200x16384xf32, #tpu.memory_space<hbm>> -> memref<200x128xf32, #tpu.memory_space<hbm>>
    tpu.wait_dma2 semaphore(%arg10 : memref<!tpu.dma_semaphore, #tpu.memory_space<semaphore_mem>>) src(%arg5 : memref<200x128xf32, #tpu.memory_space<vmem>>) dst(%dma_wait3A_209 : memref<200x128xf32, #tpu.memory_space<hbm>>)
    %dma_wait3A_210 = arith.constant 0 : i32
    %dma_wait3A_211 = tpu.memref_slice %arg3[%dma_wait3A_210, %add3A_109] : memref<200x16384xf32, #tpu.memory_space<hbm>> -> memref<200x128xf32, #tpu.memory_space<hbm>>
    %dma_wait3A_212 = arith.constant 0 : i32
    %dma_wait3A_213 = tpu.memref_slice %arg3[%dma_wait3A_212, %add3A_109] : memref<200x16384xf32, #tpu.memory_space<hbm>> -> memref<200x128xf32, #tpu.memory_space<hbm>>
    tpu.wait_dma2 semaphore(%arg11 : memref<!tpu.dma_semaphore, #tpu.memory_space<semaphore_mem>>) src(%arg6 : memref<200x128xf32, #tpu.memory_space<vmem>>) dst(%dma_wait3A_213 : memref<200x128xf32, #tpu.memory_space<hbm>>)
    %dma_wait3A_214 = arith.constant 0 : i32
    %dma_wait3A_215 = tpu.memref_slice %arg3[%dma_wait3A_214, %add3A_155] : memref<200x16384xf32, #tpu.memory_space<hbm>> -> memref<200x128xf32, #tpu.memory_space<hbm>>
    %dma_wait3A_216 = arith.constant 0 : i32
    %dma_wait3A_217 = tpu.memref_slice %arg3[%dma_wait3A_216, %add3A_155] : memref<200x16384xf32, #tpu.memory_space<hbm>> -> memref<200x128xf32, #tpu.memory_space<hbm>>
    tpu.wait_dma2 semaphore(%arg12 : memref<!tpu.dma_semaphore, #tpu.memory_space<semaphore_mem>>) src(%arg7 : memref<200x128xf32, #tpu.memory_space<vmem>>) dst(%dma_wait3A_217 : memref<200x128xf32, #tpu.memory_space<hbm>>)
    %dma_wait3A_218 = arith.constant 0 : i32
    %dma_wait3A_219 = tpu.memref_slice %arg3[%dma_wait3A_218, %add3A_201] : memref<200x16384xf32, #tpu.memory_space<hbm>> -> memref<200x128xf32, #tpu.memory_space<hbm>>
    %dma_wait3A_220 = arith.constant 0 : i32
    %dma_wait3A_221 = tpu.memref_slice %arg3[%dma_wait3A_220, %add3A_201] : memref<200x16384xf32, #tpu.memory_space<hbm>> -> memref<200x128xf32, #tpu.memory_space<hbm>>
    tpu.wait_dma2 semaphore(%arg13 : memref<!tpu.dma_semaphore, #tpu.memory_space<semaphore_mem>>) src(%arg8 : memref<200x128xf32, #tpu.memory_space<vmem>>) dst(%dma_wait3A_221 : memref<200x128xf32, #tpu.memory_space<hbm>>)
    "tpu.region"() ({
      %run_scoped3A = tpu.sem_alloc : memref<!tpu.dma_semaphore, #tpu.memory_space<semaphore_mem>>
      %dma_start3A_222 = tpu.memref_slice %arg4[%mul3A_2] : memref<16384xi32, #tpu.memory_space<hbm>> -> memref<512xi32, #tpu.memory_space<hbm>>
      %dma_start3A_223 = tpu.memref_slice %arg4[%mul3A_2] : memref<16384xi32, #tpu.memory_space<hbm>> -> memref<512xi32, #tpu.memory_space<hbm>>
      tpu.enqueue_dma source(%arg9 : memref<512xi32, #tpu.memory_space<vmem>>) target(%dma_start3A_223 : memref<512xi32, #tpu.memory_space<hbm>>) target_semaphore(%run_scoped3A : memref<!tpu.dma_semaphore, #tpu.memory_space<semaphore_mem>>)
      %dma_wait3A_224 = tpu.memref_slice %arg4[%mul3A_2] : memref<16384xi32, #tpu.memory_space<hbm>> -> memref<512xi32, #tpu.memory_space<hbm>>
      %dma_wait3A_225 = tpu.memref_slice %arg4[%mul3A_2] : memref<16384xi32, #tpu.memory_space<hbm>> -> memref<512xi32, #tpu.memory_space<hbm>>
      tpu.wait_dma2 semaphore(%run_scoped3A : memref<!tpu.dma_semaphore, #tpu.memory_space<semaphore_mem>>) src(%arg9 : memref<512xi32, #tpu.memory_space<vmem>>) dst(%dma_wait3A_225 : memref<512xi32, #tpu.memory_space<hbm>>)
      tpu.yield
    }) : () -> ()
    return
  }
}

</mosaic_0001>

<sc_bundles>
// kernel: kernel.3.cloned.1.call-start
scs
__scs_entry_jumppad:
0x0: {  	(pc) =	sbr.rel $0x88, $3  }
0x1: {  	(tag) =	ssettag $0x0;
	lr =	simm.s32 $0x1  }
0x2: {  	[smem:$0x3FA0] =	sst lr;
	_ =	strace $0xD0000000  }
0x3: {  	_ = 	snop  }
0x4: {  	_ = 	snop  }
0x5: {  	_ = 	snop  }
0x6: {  	_ = 	snop  }
0x7: {  	_ = 	snop  }
__scs_overlays_trampoline_lowered:
0x8: {  	[smem:$0x3FAF] =	sst s0  }
0x9: {  	[smem:$0x3FB0] =	sst s1  }
0xa: {  	[smem:$0x3FB1] =	sst s2  }
0xb: {  	[smem:$0x3FB2] =	sst s3  }
0xc: {  	[smem:$0x3FB3] =	sst s4  }
0xd: {  	[smem:$0x3FB4] =	sst s5  }
0xe: {  	[smem:$0x3FB5] =	sst s6  }
0xf: {  	[smem:$0x3FB6] =	sst s7  }
0x10: {  	[smem:$0x3FB7] =	sst s8  }
0x11: {  	[smem:$0x3FB8] =	sst s9;
	s0 =	simm.s32 @!p0 $0x0  }
0x12: {  	s1 =	sld [smem:$0x3F9E];
	s0 =	simm.s32 @p0 $0x1  }
0x13: {  	[smem:$0x3FB9] =	sst s0;
	s0 =	simm.s32 @!p1 $0x0  }
0x14: {  	s2 =	sld [smem:$0x3F9D];
	s0 =	simm.s32 @p1 $0x1  }
0x15: {  	[smem:$0x3FBA] =	sst s0;
	s0 =	simm.s32 @!p2 $0x0  }
0x16: {  	s3 =	sld [smem:$0x3FDB];
	s0 =	simm.s32 @p2 $0x1  }
0x17: {  	s4 =	simm.s32 $0x1BF5;
	[smem:$0x3FBC] =	sst s0  }
0x18: {  	s0 =	sld [smem:$0x3F9F];
	_ =	swait.ge [sflag:s4], $0x0  }
0x19: {  	s7 =	sld [smem:$0x3FA0]  }
0x1a: {  	s8 =	sadd.s32 $0xFFFFE003, lr  }
0x1b: {  	s9 =	sadd.s32 $0xFFFFFEF7, lr;
	s5 =	simm.s32 $0xFFFFFFFF;
	p2 =	slt.u32 s8, $0xFFFFF086  }
0x1c: {  	p1 =	slt.u32 s9, $0xF7A;
	s5 =	simm.s32 @!p2 $0x0  }
0x1d: {  	s5 =	simm.s32 @p1 $0x1;
	p0 =	seq.s32 s7, s2  }
0x1e: {  	s7 =	smul.u32 @!p0 $0xF7A, s2;
	p2 =	seq.s32 @!p0 s5, $0x0  }
0x1f: {  	s9 =	smul.u32 $0xF7A, s1;
	s8 =	simm.s32 @!p0 $0x1BF5;
	p2 =	por !p2, p0  }
0x20: {  	[sflag:s8] =	ssyncset.s32 @!p0 $0xFFFFF086;
	s6 =	sadd.s32 @!p0 s3, s7;
	s7 =	simm.s32 @!p0 $0x108  }
0x21: {  	s3 =	sadd.s32 s3, s9;
	s6 =	sadd.s32 @!p0 $0x88, s6;
	s7 =	simm.s32 @p2 $0x1082  }
0x22: {  	[simem:s7], [sflag:s8] =	dma.local @!p0 [hbm:s6], $0xF7A  }
0x23: {  	s9 =	sor.u32 $0xD0000000, s2;
	s6 =	simm.s32 $0x108;
	_ =	swait.ge @!p0 [sflag:s8], $0x0  }
0x24: {  	s3 =	sadd.s32 $0x88, s3;
	s6 =	simm.s32 @!p1 $0x1082;
	[sflag:s4] =	ssyncset.s32 $0xFFFFF086  }
0x25: {  	[simem:s6], [sflag:s4] =	dma.local [hbm:s3], $0xF7A  }
0x26: {  	[smem:$0x3FA0] =	sst s1;
	(tag) =	ssettag s2;
	_ =	strace s9  }
0x27: {  	s1 =	sld [smem:$0x3FB0]  }
0x28: {  	s2 =	sld [smem:$0x3FB1]  }
0x29: {  	s4 =	sld [smem:$0x3FB3]  }
0x2a: {  	p0 =	seq.s32 s5, $0x0;
	s5 =	sld [smem:$0x3FB4]  }
0x2b: {  	s6 =	sld [smem:$0x3FB5]  }
0x2c: {  	s7 =	sld [smem:$0x3FB6]  }
0x2d: {  	s3 =	simm.s32 $0x108;
	s8 =	sld [smem:$0x3FB7]  }
0x2e: {  	s3 =	simm.s32 @!p0 $0x1082;
	s9 =	sld [smem:$0x3FB8]  }
0x2f: {  	lr =	sadd.s32 s0, s3;
	s0 =	sld [smem:$0x3FAF]  }
0x30: {  	s3 =	sld [smem:$0x3FB2]  }
0x31: {  	[smem:$0x3FBB] =	sst s10  }
0x32: {  	s10 =	sld [smem:$0x3FB9];
	_ =	sdelay $0x3  }
0x33: {  	p0 =	seq.s32 s10, $0x1;
	s10 =	sld [smem:$0x3FBB];
	_ =	sdelay $0x3  }
0x34: {  	[smem:$0x3FBB] =	sst s10  }
0x35: {  	s10 =	sld [smem:$0x3FBA];
	_ =	sdelay $0x3  }
0x36: {  	p1 =	seq.s32 s10, $0x1;
	s10 =	sld [smem:$0x3FBB];
	_ =	sdelay $0x3  }
0x37: {  	[smem:$0x3FBB] =	sst s10  }
0x38: {  	s10 =	sld [smem:$0x3FBC]  }
0x39: {  	_ = 	snop;
	(pc) =	sbr.ind lr, $3  }
0x3a: {  	_ = 	snop  }
0x3b: {  	_ = 	snop  }
0x3c: {  	p2 =	seq.s32 s10, $0x1;
	s10 =	sld [smem:$0x3FBB]  }
0x3d: {  	_ =	shalt  }
0x3e: {  	_ =	shalt  }
0x3f: {  	_ =	shalt  }
0x40: {  	_ =	shalt  }
0x41: {  	_ =	shalt  }
0x42: {  	_ =	shalt  }
0x43: {  	_ =	shalt  }
0x44: {  	_ =	shalt  }
0x45: {  	_ =	shalt  }
0x46: {  	_ =	shalt  }
0x47: {  	_ =	shalt  }
0x48: {  	_ =	shalt  }
0x49: {  	_ =	shalt  }
0x4a: {  	_ =	shalt  }
0x4b: {  	_ =	shalt  }
0x4c: {  	_ =	shalt  }
0x4d: {  	_ =	shalt  }
0x4e: {  	_ =	shalt  }
0x4f: {  	_ =	shalt  }
0x50: {  	_ =	shalt  }
0x51: {  	_ =	shalt  }
0x52: {  	_ =	shalt  }
0x53: {  	_ =	shalt  }
0x54: {  	_ =	shalt  }
0x55: {  	_ =	shalt  }
0x56: {  	_ =	shalt  }
0x57: {  	_ =	shalt  }
0x58: {  	_ =	shalt  }
0x59: {  	_ =	shalt  }
0x5a: {  	_ =	shalt  }
0x5b: {  	_ =	shalt  }
0x5c: {  	_ =	shalt  }
0x5d: {  	_ =	shalt  }
0x5e: {  	_ =	shalt  }
0x5f: {  	_ =	shalt  }
0x60: {  	_ =	shalt  }
0x61: {  	_ =	shalt  }
0x62: {  	_ =	shalt  }
0x63: {  	_ =	shalt  }
0x64: {  	_ =	shalt  }
0x65: {  	_ =	shalt  }
0x66: {  	_ =	shalt  }
0x67: {  	_ =	shalt  }
0x68: {  	_ =	shalt  }
0x69: {  	_ =	shalt  }
0x6a: {  	_ =	shalt  }
0x6b: {  	_ =	shalt  }
0x6c: {  	_ =	shalt  }
0x6d: {  	_ =	shalt  }
0x6e: {  	_ =	shalt  }
0x6f: {  	_ =	shalt  }
0x70: {  	_ =	shalt  }
0x71: {  	_ =	shalt  }
0x72: {  	_ =	shalt  }
0x73: {  	_ =	shalt  }
0x74: {  	_ =	shalt  }
0x75: {  	_ =	shalt  }
0x76: {  	_ =	shalt  }
0x77: {  	_ =	shalt  }
0x78: {  	_ =	shalt  }
0x79: {  	_ =	shalt  }
0x7a: {  	_ =	shalt  }
0x7b: {  	_ =	shalt  }
0x7c: {  	_ =	shalt  }
0x7d: {  	_ =	shalt  }
0x7e: {  	_ =	shalt  }
0x7f: {  	_ =	shalt  }
0x80: {  	_ =	shalt  }
0x81: {  	_ =	shalt  }
0x82: {  	_ =	shalt  }
0x83: {  	_ =	shalt  }
0x84: {  	_ =	shalt  }
0x85: {  	_ =	shalt  }
0x86: {  	_ =	shalt  }
0x87: {  	_ =	shalt  }
.Lfunc_end0:
.L_simem_size_0:
called_computation_lowered:
.L_overlay_start_0:
0x88: {  	s2 =	sld [smem:$0x3FD9]  }
0x89: {  	s3 =	sld [smem:$0x3FFE];
	_ =	sdelay $0x1  }
0x8a: {  	s1 =	srdreg.scid  }
0x8b: {  	s0 =	sand.u32 $0x1, s1  }
0x8c: {  	s15 =	sshll.u32 s0, $0xA;
	s2 =	sadd.s32 s3, s2  }
0x8d: {  	s2 =	sadd.s32 s2, s15  }
0x8e: {  	[smem:$0x3FC7] =	sst s2  }
0x8f: {  	_ = 	snop  }
0x90: {  	s2 =	sld [smem:$0x3FD0];
	_ =	sdelay $0x2  }
0x91: {  	s4 =	simm.s32 $0xA;
	s5 =	simm.s32 $0x10;
	s16 =	sld [smem:$0x3FC9]  }
0x92: {  	[smem:s5], [sflag:s4] =	dma.local [hbm:s2], $0x1  }
0x93: {  	_ =	swait.eq [sflag:s4], $0x1  }
0x94: {  	[sflag:s4] =	ssyncset.done $0x0  }
0x95: {  	s17 =	sld [smem:$0x10];
	[sflag:s4] =	ssyncadd.s32 $0xFFFFFFFF  }
0x96: {  	s18 =	sld [smem:$0x11];
	(tm) =	ssettm $0x1  }
0x97: {  	s19 =	sld [smem:$0x3FFB];
	_ =	sdelay $0x3  }
0x98: {  	_ =	strace s19  }
0x99: {  	s5 =	sld [smem:$0x3FFC];
	_ =	sdelay $0x3  }
0x9a: {  	_ =	strace s5  }
0x9b: {  	s5 =	sld [smem:$0x3FFD];
	_ =	sdelay $0x3  }
0x9c: {  	_ =	strace s5  }
0x9d: {  	_ =	strace $0x8FFFFFFF  }
0x9e: {  	s20 =	sld [smem:$0x3FDB];
	_ =	sdelay $0x1  }
0x9f: {  	s6 =	simm.s32 $_scs_section_size  }
0xa0: {  	s7 =	simm.s32 $_size__tile_overlayer_lowered;
	s8 =	simm.s32 $_tile_overlayer_lowered  }
0xa1: {  	s23 =	simm.s32 $0x1BFF;
	s22 =	sshll.u32 s8, $0x1;
	s5 =	sadd.s32 s6, s20  }
0xa2: {  	s9 =	simm.s32 $0x0;
	s21 =	sshll.u32 s7, $0x1;
	s7 =	sadd.s32 s22, s5  }
0xa3: {  	[timem:s9], [sflag:s23] =	dma.local [hbm:s7], s21  }
0xa4: {  	_ =	swait.ge [sflag:s23], s21  }
0xa5: {  	s6 =	ssub.s32 $0x0, s21;
	[sflag:s23] =	ssyncset.done $0x0  }
0xa6: {  	[sflag:s23] =	ssyncadd.s32 s6;
	_ =	sdelay $0x1  }
0xa7: {  	s24 =	simm.s32 $0x1B8B  }
0xa8: {  	_ =	swait.ge [sflag:s24], $0x1  }
0xa9: {  	[sflag:s24] =	ssyncset.done $0x0  }
0xaa: {  	s25 =	simm.s32 $0x1B8E;
	[sflag:s24] =	ssyncadd.s32 $0xFFFFFFFF  }
0xab: {  	s26 =	simm.s32 $execute0_lowered;
	[smem:$0x3FD2] =	sst s25  }
0xac: {  	s6 =	sshll.u32 s26, $0x1;
	_ =	strace $0x80000046;
	[dreg:$0x1] =	wrdreg $0xFFFFFFFF  }
0xad: {  	s28 =	simm.s32 $_size_execute0_lowered;
	s5 =	sadd.s32 s5, s6;
	[dreg:$0x0] =	wrdreg $0x0  }
0xae: {  	s6 =	sshll.u32 s28, $0x1;
	[dreg:$0x2] =	wrdreg s5  }
0xaf: {  	[dreg:$0x3] =	wrdreg s6  }
0xb0: {  	[dreg:$0x4] =	wrdreg $0xC0  }
0xb1: {  	_ =	task [dreg:s9], $0x5FFFF  }
0xb2: {  	[dreg:$0x1] =	wrdreg $0xFFFFFFFF  }
0xb3: {  	[dreg:$0x0] =	wrdreg $0x60  }
0xb4: {  	[dreg:$0x2] =	wrdreg s16  }
0xb5: {  	[dreg:$0x3] =	wrdreg s17  }
0xb6: {  	[dreg:$0x4] =	wrdreg s18  }
0xb7: {  	[dreg:$0x5] =	wrdreg $0x9  }
0xb8: {  	_ =	task.clear_ibuf [dreg:s9], $0x6FFFF;
	_ =	strace $0x90000046  }
0xb9: {  	s29 =	simm.s32 $0x9;
	_ =	strace $0x80000048  }
0xba: {  	_ =	swait.ge [sflag:s29], $0x1  }
0xbb: {  	[sflag:s29] =	ssyncadd.s32 $0xFFFFFFFF  }
0xbc: {  	_ =	strace $0x90000048  }
0xbd: {  	_ =	sfence  }
0xbe: {  	s30 =	sld [smem:$0x0];
	_ =	sdelay $0x2  }
0xbf: {  	s31 =	sshll.u32 s1, $0xD;
	s1 =	sshrl.u32 s1, $0x2  }
0xc0: {  	s3 =	sand.u32 $0x4000, s31;
	s1 =	sadd.s32 s1, s30  }
0xc1: {  	s0 =	sor.u32 s3, s0;
	s1 =	sshll.u32 s1, $0x11  }
0xc2: {  	s0 =	sor.u32 s1, s0  }
0xc3: {  	s0 =	sadd.s32 $0x8F2B, s0  }
0xc4: {  	[sflag:s0] =	ssyncadd.remote.s32 $0x1  }
0xc5: {  	_ =	sfence.sel $0xFFFF  }
0xc6: {  	[dreg:$0x0] =	wrdreg $0xFFFFFFFF;
	(pc) =	sbr.abs _section_cstart, $3  }
0xc7: {  	[dreg:$0x1] =	wrdreg $0xFFFFFFFF  }
0xc8: {  	_ =	task.clear_ibuf [dreg:s9], $0x2FFFF;
	_ =	strace $0x9FFFFFFF  }
0xc9: {  	(tm) =	ssettm $0x7FFFFFFF  }
tec
execute0_lowered:
.L_overlay_start_1:
0x0: {  	(tag) =	ssettag $0x1  }
0x1: {  	s7 =	rddreg [dreg:$0x0]  }
0x2: {  	s10 =	rddreg [dreg:$0x1]  }
0x3: {  	s11 =	rddreg [dreg:$0x2]  }
0x4: {  	s0 =	rddreg [dreg:$0x3];
	s2 =	simm.s32 $0x0;
	s3 =	srdreg.scid  }
0x5: {  	s1 =	stileid.u32;
	s15 =	simm.s32 $0x6400;
	s16 =	simm.s32 $0xC800  }
0x6: {  	s17 =	simm.s32 $0x1;
	s18 =	simm.s32 $0x12C00;
	s19 =	simm.s32 $0x2  }
0x7: {  	s20 =	simm.s32 $0x3;
	s21 =	simm.s32 $0x4;
	s22 =	simm.s32 $0x19000  }
0x8: {  	s23 =	simm.s32 $0x5;
	s24 =	simm.s32 $0x0;
	s3 =	sand.u32 $0x1, s3  }
0x9: {  	s5 =	sshll.u32 s1, $0xA;
	s4 =	ssub.s32 $0x2, s3;
	s3 =	sshll.u32 s3, $0x9  }
0xa: {  	[smem:$0x7FF] =	sst s2;
	s6 =	sshrl.u32 s4, $0x1;
	s12 =	sor.u32 s3, s5  }
0xb: {  	_ =	strace $0x80000047;
	s13 =	ssub.s32 s4, s6;
	s3 =	sadd.s32 s7, s12  }
0xc: {  	s8 =	sor.u32 $0x80, s12;
	s9 =	sor.u32 $0x100, s12;
	s14 =	sor.u32 $0x180, s12  }
0xd: {  	s6 =	sadd.s32 s10, s12;
	s12 =	sshrl.u32 s12, $0x3;
	s4 =	sadd.s32 s7, s8  }
0xe: {  	s5 =	sadd.s32 s7, s9;
	s7 =	sadd.s32 s7, s14;
	s8 =	sadd.s32 s10, s8  }
0xf: {  	s9 =	sadd.s32 s10, s9;
	s10 =	sadd.s32 s10, s14;
	s11 =	sadd.s32 s11, s12  }
0x10: {  	v0 =	vimm.s32 $0x0;
	s12 =	smax.u32 s13, $0x1;
	s13 =	simm.s32 $0x400;
	s14 =	simm.s32 $0x20000  }
.LBB2_1:
0x11: {  	[tilespmem:s2], [sflag:$0x1] =	stream.strided.gather [hbm4b:s3+s13], $0x6400, s14, s13, $0x38;
	[tilespmem:$0x19200] =	vst v63  }
0x12: {  	_ = 	snop  }
0x13: {  	[tilespmem:s15], [sflag:$0x2] =	stream.strided.gather [hbm4b:s4+s13], $0x6400, s14, s13, $0x38;
	[tilespmem:$0x19200] =	vst v63  }
0x14: {  	_ = 	snop  }
0x15: {  	[tilespmem:s16], [sflag:$0x3] =	stream.strided.gather [hbm4b:s5+s13], $0x6400, s14, s13, $0x38;
	[tilespmem:$0x19200] =	vst v63  }
0x16: {  	_ =	swait.ge [sflag:s17], $0x6400  }
0x17: {  	[sflag:s17] =	ssyncset.done $0x0  }
0x18: {  	s25 =	simm.s32 $0x0;
	[sflag:s17] =	ssyncadd.s32 $0xFFFF9C00  }
0x19: {  	v1 =	vld [tilespmem:s25+$0x70]  }
0x1a: {  	v2 =	vld [tilespmem:s25+$0x0]  }
0x1b: {  	v3 =	vld [tilespmem:s25+$0x10]  }
0x1c: {  	v4 =	vld [tilespmem:s25+$0x20]  }
0x1d: {  	v5 =	vld [tilespmem:s25+$0x30]  }
0x1e: {  	v8 =	vimm.s32 $0x0;
	v12 =	vld [tilespmem:s25+$0x40];
	vm0 =	vne.f32 v1, $-1.000000000e+00  }
0x1f: {  	v7 =	vimm.s32 $0x0;
	vm1 =	vne.f32 v2, $-1.000000000e+00;
	v6 =	vnsel vm0, $0x0, v1  }
0x20: {  	v1 =	vsel vm0, $0x1, v0;
	v2 =	vnsel vm1, $0x0, v2;
	vm0 =	vne.f32 v3, $-1.000000000e+00  }
0x21: {  	v13 =	vld [tilespmem:s25+$0x50];
	v9 =	vsel vm1, $0x1, v0;
	vm1 =	vne.f32 v4, $-1.000000000e+00;
	v1 =	vadd.s32 v1, v0  }
0x22: {  	v14 =	vld [tilespmem:s25+$0x60];
	v3 =	vnsel vm0, $0x0, v3;
	v10 =	vsel vm0, $0x1, v0;
	[tilespmem:s25+$0x70] =	vst v6;
	v16 =	vnsel vm1, $0x0, v4  }
0x23: {  	vm0 =	vne.f32 v5, $-1.000000000e+00;
	v11 =	vsel vm1, $0x1, v0;
	[tilespmem:s25+$0x0] =	vst v2;
	vm1 =	vne.f32 v12, $-1.000000000e+00  }
0x24: {  	v6 =	vimm.s32 $0x0;
	v4 =	vimm.s32 $0x0;
	v2 =	vimm.s32 $0x0;
	[tilespmem:s25+$0x10] =	vst v3  }
0x25: {  	s26 =	simm.s32 $0x80;
	s28 =	simm.s32 $0x400;
	v15 =	vnsel vm0, $0x0, v5;
	[tilespmem:s25+$0x20] =	vst v16;
	v5 =	vimm.s32 $0x0;
	v3 =	vimm.s32 $0x0  }
.LBB2_2:
0x26: {  	p0 =	sne.s32 s28, $0x18E00;
	v16 =	vld [tilespmem:s26+$0x70];
	[tilespmem:s25+$0x30] =	vst v15;
	v15 =	vsel vm0, $0x1, v0;
	v12 =	vnsel vm1, $0x0, v12;
	vm0 =	vne.f32 v13, $-1.000000000e+00  }
0x27: {  	v17 =	vld [tilespmem:s26+$0x0];
	[tilespmem:s25+$0x40] =	vst v12;
	v12 =	vsel vm1, $0x1, v0;
	v13 =	vnsel vm0, $0x0, v13;
	vm1 =	vne.f32 v14, $-1.000000000e+00  }
0x28: {  	v18 =	vld [tilespmem:s26+$0x10];
	[tilespmem:s25+$0x50] =	vst v13;
	v13 =	vsel vm0, $0x1, v0;
	v14 =	vnsel vm1, $0x0, v14;
	v19 =	vsel vm1, $0x1, v0  }
0x29: {  	v8 =	vadd.s32 v9, v8;
	v7 =	vadd.s32 v10, v7;
	v6 =	vadd.s32 v11, v6;
	v20 =	vld [tilespmem:s26+$0x20];
	[tilespmem:s25+$0x60] =	vst v14;
	s25 =	smov.u32 s26  }
0x2a: {  	v4 =	vadd.s32 v15, v4;
	v5 =	vadd.s32 v12, v5;
	v3 =	vadd.s32 v13, v3;
	v21 =	vld [tilespmem:s25+$0x30]  }
0x2b: {  	v2 =	vadd.s32 v19, v2;
	v12 =	vld [tilespmem:s25+$0x40];
	vm0 =	vne.f32 v16, $-1.000000000e+00  }
.Ltmp0:
0x2c: {  	vm1 =	vne.f32 v17, $-1.000000000e+00;
	v13 =	vld [tilespmem:s25+$0x50];
	v9 =	vnsel vm0, $0x0, v16;
	v10 =	vsel vm0, $0x1, v0;
	(pc) =	sbr.rel @p0 .LBB2_2-.Ltmp0, $4  }
0x2d: {  	v11 =	vnsel vm1, $0x0, v17;
	vm0 =	vne.f32 v18, $-1.000000000e+00;
	v14 =	vld [tilespmem:s25+$0x60];
	[tilespmem:s25+$0x70] =	vst v9;
	v1 =	vadd.s32 v10, v1  }
0x2e: {  	v9 =	vsel vm1, $0x1, v0;
	[tilespmem:s25+$0x0] =	vst v11;
	v10 =	vnsel vm0, $0x0, v18;
	vm1 =	vne.f32 v20, $-1.000000000e+00  }
0x2f: {  	[tilespmem:s25+$0x10] =	vst v10;
	v10 =	vsel vm0, $0x1, v0;
	v11 =	vnsel vm1, $0x0, v20;
	vm0 =	vne.f32 v21, $-1.000000000e+00  }
0x30: {  	s26 =	sshra.s32 s28, $0x2;
	s28 =	sadd.s32 $0x200, s28;
	[tilespmem:s25+$0x20] =	vst v11;
	v11 =	vsel vm1, $0x1, v0;
	v15 =	vnsel vm0, $0x0, v21;
	vm1 =	vne.f32 v12, $-1.000000000e+00  }
0x31: {  	v16 =	vld [tilespmem:s26+$0x70]  }
0x32: {  	v17 =	vld [tilespmem:s26+$0x0]  }
0x33: {  	v18 =	vld [tilespmem:s26+$0x10]  }
0x34: {  	v19 =	vld [tilespmem:s26+$0x20];
	[tilespmem:s25+$0x30] =	vst v15;
	v12 =	vnsel vm1, $0x0, v12;
	vm3 =	vne.f32 v13, $-1.000000000e+00  }
0x35: {  	v15 =	vld [tilespmem:s26+$0x30];
	[tilespmem:s25+$0x40] =	vst v12;
	v12 =	vnsel vm3, $0x0, v13;
	vm4 =	vne.f32 v14, $-1.000000000e+00  }
0x36: {  	v13 =	vld [tilespmem:s26+$0x40];
	[tilespmem:s25+$0x50] =	vst v12;
	v12 =	vnsel vm4, $0x0, v14;
	vm2 =	vne.f32 v16, $-1.000000000e+00  }
0x37: {  	v14 =	vld [tilespmem:s26+$0x50];
	[tilespmem:s25+$0x60] =	vst v12;
	vm5 =	vne.f32 v17, $-1.000000000e+00;
	v12 =	vnsel vm2, $0x0, v16  }
0x38: {  	vm6 =	vne.f32 v18, $-1.000000000e+00;
	v16 =	vld [tilespmem:s26+$0x60];
	v17 =	vnsel vm5, $0x0, v17;
	[tilespmem:s26+$0x70] =	vst v12  }
0x39: {  	vm7 =	vne.f32 v19, $-1.000000000e+00;
	[tilespmem:s26+$0x0] =	vst v17;
	v12 =	vnsel vm6, $0x0, v18  }
0x3a: {  	v17 =	vsel vm0, $0x1, v0;
	vm0 =	vne.f32 v15, $-1.000000000e+00;
	[tilespmem:s26+$0x10] =	vst v12;
	v12 =	vnsel vm7, $0x0, v19  }
0x3b: {  	v63 =	vsel vm1, $0x1, v0;
	vm1 =	vne.f32 v13, $-1.000000000e+00;
	[tilespmem:s26+$0x20] =	vst v12;
	v12 =	vnsel vm0, $0x0, v15  }
0x3c: {  	v15 =	vsel vm3, $0x1, v0;
	vm3 =	vne.f32 v14, $-1.000000000e+00;
	[tilespmem:s26+$0x30] =	vst v12;
	v12 =	vnsel vm1, $0x0, v13  }
0x3d: {  	v8 =	vadd.s32 v9, v8;
	[tilespmem:s26+$0x40] =	vst v12;
	v12 =	vnsel vm3, $0x0, v14;
	vm15 =	vne.f32 v16, $-1.000000000e+00  }
0x3e: {  	v7 =	vadd.s32 v10, v7;
	v14 =	vsel vm5, $0x1, v0;
	[tilespmem:s26+$0x50] =	vst v12;
	v9 =	vnsel vm15, $0x0, v16  }
0x3f: {  	v6 =	vadd.s32 v11, v6;
	v12 =	vsel vm6, $0x1, v0;
	v8 =	vadd.s32 v14, v8;
	[tilespmem:s26+$0x60] =	vst v9  }
0x40: {  	v5 =	vadd.s32 v63, v5;
	v9 =	vsel vm7, $0x1, v0;
	v7 =	vadd.s32 v12, v7;
	[tilespmem:$0x19000] =	vst v8  }
0x41: {  	v4 =	vadd.s32 v17, v4;
	v8 =	vsel vm0, $0x1, v0;
	v6 =	vadd.s32 v9, v6;
	[tilespmem:$0x19010] =	vst v7  }
0x42: {  	v13 =	vsel vm4, $0x1, v0;
	v7 =	vsel vm1, $0x1, v0;
	v4 =	vadd.s32 v8, v4;
	[tilespmem:$0x19020] =	vst v6  }
0x43: {  	v3 =	vadd.s32 v15, v3;
	v6 =	vsel vm3, $0x1, v0;
	v5 =	vadd.s32 v7, v5;
	[tilespmem:$0x19030] =	vst v4  }
0x44: {  	v2 =	vadd.s32 v13, v2;
	v4 =	vsel vm15, $0x1, v0;
	v3 =	vadd.s32 v6, v3;
	[tilespmem:$0x19040] =	vst v5  }
0x45: {  	v5 =	vsel vm2, $0x1, v0;
	v2 =	vadd.s32 v4, v2;
	[tilespmem:$0x19050] =	vst v3  }
0x46: {  	v1 =	vadd.s32 v5, v1;
	[tilespmem:$0x19060] =	vst v2  }
0x47: {  	s31 =	simm.s32 $0x0;
	[tilespmem:$0x19070] =	vst v1  }
0x48: {  	[hbm4b:s6+s13] =	stream.strided.scatter [tilespmem:s31], [sflag:$0x1], $0x6400, s14, s13, $0x38;
	[tilespmem:$0x19200] =	vst v63  }
0x49: {  	_ = 	snop  }
0x4a: {  	[tilespmem:s18], [sflag:$0x4] =	stream.strided.gather [hbm4b:s7+s13], $0x6400, s14, s13, $0x38;
	[tilespmem:$0x19200] =	vst v63  }
0x4b: {  	_ =	swait.ge [sflag:s19], $0x6400  }
0x4c: {  	[sflag:s19] =	ssyncset.done $0x0  }
0x4d: {  	s25 =	simm.s32 $0x0;
	[sflag:s19] =	ssyncadd.s32 $0xFFFF9C00  }
0x4e: {  	v1 =	vld [tilespmem:s25+$0x6470]  }
0x4f: {  	v3 =	vld [tilespmem:s25+$0x6400]  }
0x50: {  	v12 =	vld [tilespmem:s25+$0x6440]  }
0x51: {  	v4 =	vld [tilespmem:s25+$0x6410]  }
0x52: {  	v5 =	vld [tilespmem:s25+$0x6420];
	_ =	sdelay $0x1  }
0x53: {  	v8 =	vimm.s32 $0x0;
	v2 =	vimm.s32 $0x0;
	v6 =	vld [tilespmem:s25+$0x6430]  }
0x54: {  	vm0 =	vne.f32 v1, $-1.000000000e+00;
	vm1 =	vne.f32 v3, $-1.000000000e+00;
	vm2 =	vne.f32 v12, $-1.000000000e+00  }
0x55: {  	v7 =	vnsel vm0, $0x0, v1;
	v1 =	vsel vm0, $0x1, v0;
	v3 =	vnsel vm1, $0x0, v3  }
0x56: {  	v13 =	vld [tilespmem:s25+$0x6450];
	vm0 =	vne.f32 v4, $-1.000000000e+00;
	v9 =	vsel vm1, $0x1, v0;
	vm1 =	vne.f32 v5, $-1.000000000e+00  }
0x57: {  	v14 =	vld [tilespmem:s25+$0x6460];
	v1 =	vadd.s32 v1, v2;
	v4 =	vnsel vm0, $0x0, v4;
	[tilespmem:s25+$0x6470] =	vst v7;
	v10 =	vsel vm0, $0x1, v0  }
0x58: {  	v16 =	vnsel vm1, $0x0, v5;
	vm0 =	vne.f32 v6, $-1.000000000e+00;
	[tilespmem:s25+$0x6400] =	vst v3;
	v11 =	vsel vm1, $0x1, v0  }
0x59: {  	v7 =	vimm.s32 $0x0;
	v5 =	vimm.s32 $0x0;
	v3 =	vimm.s32 $0x0;
	[tilespmem:s25+$0x6410] =	vst v4  }
0x5a: {  	s28 =	simm.s32 $0x400;
	s26 =	simm.s32 $0x80;
	v15 =	vnsel vm0, $0x0, v6;
	[tilespmem:s25+$0x6420] =	vst v16;
	v6 =	vimm.s32 $0x0;
	v4 =	vimm.s32 $0x0  }
.LBB2_4:
0x5b: {  	p0 =	sne.s32 s28, $0x18E00;
	v16 =	vld [tilespmem:s26+$0x6470];
	[tilespmem:s25+$0x6430] =	vst v15;
	v15 =	vsel vm0, $0x1, v0;
	v12 =	vnsel vm2, $0x0, v12;
	vm0 =	vne.f32 v13, $-1.000000000e+00  }
0x5c: {  	v17 =	vld [tilespmem:s26+$0x6400];
	[tilespmem:s25+$0x6440] =	vst v12;
	v12 =	vsel vm2, $0x1, v0;
	v13 =	vnsel vm0, $0x0, v13;
	vm1 =	vne.f32 v14, $-1.000000000e+00  }
0x5d: {  	v18 =	vld [tilespmem:s26+$0x6410];
	[tilespmem:s25+$0x6450] =	vst v13;
	v13 =	vsel vm0, $0x1, v0;
	v14 =	vnsel vm1, $0x0, v14;
	v19 =	vsel vm1, $0x1, v0  }
0x5e: {  	v2 =	vadd.s32 v9, v2;
	v8 =	vadd.s32 v10, v8;
	v7 =	vadd.s32 v11, v7;
	v20 =	vld [tilespmem:s26+$0x6420];
	[tilespmem:s25+$0x6460] =	vst v14;
	s25 =	smov.u32 s26  }
0x5f: {  	v5 =	vadd.s32 v15, v5;
	v6 =	vadd.s32 v12, v6;
	v4 =	vadd.s32 v13, v4;
	v21 =	vld [tilespmem:s25+$0x6430]  }
0x60: {  	v3 =	vadd.s32 v19, v3;
	v12 =	vld [tilespmem:s25+$0x6440];
	vm0 =	vne.f32 v16, $-1.000000000e+00  }
.Ltmp1:
0x61: {  	vm1 =	vne.f32 v17, $-1.000000000e+00;
	v13 =	vld [tilespmem:s25+$0x6450];
	v9 =	vnsel vm0, $0x0, v16;
	v10 =	vsel vm0, $0x1, v0;
	(pc) =	sbr.rel @p0 .LBB2_4-.Ltmp1, $4  }
0x62: {  	v11 =	vnsel vm1, $0x0, v17;
	vm0 =	vne.f32 v18, $-1.000000000e+00;
	v14 =	vld [tilespmem:s25+$0x6460];
	[tilespmem:s25+$0x6470] =	vst v9;
	v1 =	vadd.s32 v10, v1  }
0x63: {  	v9 =	vsel vm1, $0x1, v0;
	[tilespmem:s25+$0x6400] =	vst v11;
	v10 =	vnsel vm0, $0x0, v18;
	vm1 =	vne.f32 v20, $-1.000000000e+00  }
0x64: {  	[tilespmem:s25+$0x6410] =	vst v10;
	v10 =	vsel vm0, $0x1, v0;
	v11 =	vnsel vm1, $0x0, v20;
	vm0 =	vne.f32 v21, $-1.000000000e+00  }
0x65: {  	s26 =	sshra.s32 s28, $0x2;
	s28 =	sadd.s32 $0x200, s28;
	[tilespmem:s25+$0x6420] =	vst v11;
	v11 =	vsel vm1, $0x1, v0;
	v15 =	vnsel vm0, $0x0, v21;
	vm2 =	vne.f32 v12, $-1.000000000e+00  }
0x66: {  	v16 =	vld [tilespmem:s26+$0x6470]  }
0x67: {  	v17 =	vld [tilespmem:s26+$0x6400]  }
0x68: {  	v18 =	vld [tilespmem:s26+$0x6410]  }
0x69: {  	v19 =	vld [tilespmem:s26+$0x6420];
	[tilespmem:s25+$0x6430] =	vst v15;
	v12 =	vnsel vm2, $0x0, v12;
	vm3 =	vne.f32 v13, $-1.000000000e+00  }
0x6a: {  	v15 =	vld [tilespmem:s26+$0x6430];
	[tilespmem:s25+$0x6440] =	vst v12;
	v12 =	vnsel vm3, $0x0, v13;
	vm4 =	vne.f32 v14, $-1.000000000e+00  }
0x6b: {  	v13 =	vld [tilespmem:s26+$0x6440];
	[tilespmem:s25+$0x6450] =	vst v12;
	v12 =	vnsel vm4, $0x0, v14;
	vm1 =	vne.f32 v16, $-1.000000000e+00  }
0x6c: {  	v14 =	vld [tilespmem:s26+$0x6450];
	[tilespmem:s25+$0x6460] =	vst v12;
	vm5 =	vne.f32 v17, $-1.000000000e+00;
	v12 =	vnsel vm1, $0x0, v16  }
0x6d: {  	vm6 =	vne.f32 v18, $-1.000000000e+00;
	v16 =	vld [tilespmem:s26+$0x6460];
	v17 =	vnsel vm5, $0x0, v17;
	[tilespmem:s26+$0x6470] =	vst v12  }
0x6e: {  	vm7 =	vne.f32 v19, $-1.000000000e+00;
	[tilespmem:s26+$0x6400] =	vst v17;
	v12 =	vnsel vm6, $0x0, v18  }
0x6f: {  	v17 =	vsel vm0, $0x1, v0;
	vm0 =	vne.f32 v15, $-1.000000000e+00;
	[tilespmem:s26+$0x6410] =	vst v12;
	v12 =	vnsel vm7, $0x0, v19  }
0x70: {  	v63 =	vsel vm2, $0x1, v0;
	vm2 =	vne.f32 v13, $-1.000000000e+00;
	[tilespmem:s26+$0x6420] =	vst v12;
	v12 =	vnsel vm0, $0x0, v15  }
0x71: {  	v15 =	vsel vm3, $0x1, v0;
	vm3 =	vne.f32 v14, $-1.000000000e+00;
	[tilespmem:s26+$0x6430] =	vst v12;
	v12 =	vnsel vm2, $0x0, v13  }
0x72: {  	v2 =	vadd.s32 v9, v2;
	[tilespmem:s26+$0x6440] =	vst v12;
	v12 =	vnsel vm3, $0x0, v14;
	vm15 =	vne.f32 v16, $-1.000000000e+00  }
0x73: {  	v8 =	vadd.s32 v10, v8;
	v14 =	vsel vm5, $0x1, v0;
	[tilespmem:s26+$0x6450] =	vst v12;
	v9 =	vnsel vm15, $0x0, v16  }
0x74: {  	v7 =	vadd.s32 v11, v7;
	v12 =	vsel vm6, $0x1, v0;
	v2 =	vadd.s32 v14, v2;
	[tilespmem:s26+$0x6460] =	vst v9  }
0x75: {  	v6 =	vadd.s32 v63, v6;
	v9 =	vsel vm7, $0x1, v0;
	v8 =	vadd.s32 v12, v8;
	[tilespmem:$0x19080] =	vst v2  }
0x76: {  	v5 =	vadd.s32 v17, v5;
	v2 =	vsel vm0, $0x1, v0;
	v7 =	vadd.s32 v9, v7;
	[tilespmem:$0x19090] =	vst v8  }
0x77: {  	v13 =	vsel vm4, $0x1, v0;
	v8 =	vsel vm2, $0x1, v0;
	v2 =	vadd.s32 v2, v5;
	[tilespmem:$0x190A0] =	vst v7  }
0x78: {  	v4 =	vadd.s32 v15, v4;
	v5 =	vsel vm3, $0x1, v0;
	v6 =	vadd.s32 v8, v6;
	[tilespmem:$0x190B0] =	vst v2  }
0x79: {  	v2 =	vadd.s32 v13, v3;
	v3 =	vsel vm15, $0x1, v0;
	v4 =	vadd.s32 v5, v4;
	[tilespmem:$0x190C0] =	vst v6  }
0x7a: {  	v5 =	vsel vm1, $0x1, v0;
	v2 =	vadd.s32 v3, v2;
	[tilespmem:$0x190D0] =	vst v4  }
0x7b: {  	v1 =	vadd.s32 v5, v1;
	[tilespmem:$0x190E0] =	vst v2  }
0x7c: {  	[tilespmem:$0x190F0] =	vst v1  }
0x7d: {  	[hbm4b:s8+s13] =	stream.strided.scatter [tilespmem:s15], [sflag:$0x2], $0x6400, s14, s13, $0x38;
	[tilespmem:$0x19200] =	vst v63  }
0x7e: {  	_ =	swait.ge [sflag:s20], $0x6400  }
0x7f: {  	[sflag:s20] =	ssyncset.done $0x0  }
0x80: {  	s25 =	simm.s32 $0x0;
	[sflag:s20] =	ssyncadd.s32 $0xFFFF9C00  }
0x81: {  	v1 =	vld [tilespmem:s25+$0xC870]  }
0x82: {  	v3 =	vld [tilespmem:s25+$0xC800]  }
0x83: {  	v12 =	vld [tilespmem:s25+$0xC840]  }
0x84: {  	v4 =	vld [tilespmem:s25+$0xC810]  }
0x85: {  	v5 =	vld [tilespmem:s25+$0xC820];
	_ =	sdelay $0x1  }
0x86: {  	v8 =	vimm.s32 $0x0;
	v2 =	vimm.s32 $0x0;
	v6 =	vld [tilespmem:s25+$0xC830]  }
0x87: {  	vm0 =	vne.f32 v1, $-1.000000000e+00;
	vm1 =	vne.f32 v3, $-1.000000000e+00;
	vm2 =	vne.f32 v12, $-1.000000000e+00  }
0x88: {  	v7 =	vnsel vm0, $0x0, v1;
	v1 =	vsel vm0, $0x1, v0;
	v3 =	vnsel vm1, $0x0, v3  }
0x89: {  	v13 =	vld [tilespmem:s25+$0xC850];
	vm0 =	vne.f32 v4, $-1.000000000e+00;
	v9 =	vsel vm1, $0x1, v0;
	vm1 =	vne.f32 v5, $-1.000000000e+00  }
0x8a: {  	v14 =	vld [tilespmem:s25+$0xC860];
	v1 =	vadd.s32 v1, v2;
	v4 =	vnsel vm0, $0x0, v4;
	[tilespmem:s25+$0xC870] =	vst v7;
	v10 =	vsel vm0, $0x1, v0  }
0x8b: {  	v16 =	vnsel vm1, $0x0, v5;
	vm0 =	vne.f32 v6, $-1.000000000e+00;
	[tilespmem:s25+$0xC800] =	vst v3;
	v11 =	vsel vm1, $0x1, v0  }
0x8c: {  	v7 =	vimm.s32 $0x0;
	v5 =	vimm.s32 $0x0;
	v3 =	vimm.s32 $0x0;
	[tilespmem:s25+$0xC810] =	vst v4  }
0x8d: {  	s28 =	simm.s32 $0x400;
	s26 =	simm.s32 $0x80;
	v15 =	vnsel vm0, $0x0, v6;
	[tilespmem:s25+$0xC820] =	vst v16;
	v6 =	vimm.s32 $0x0;
	v4 =	vimm.s32 $0x0  }
.LBB2_6:
0x8e: {  	p0 =	sne.s32 s28, $0x18E00;
	v16 =	vld [tilespmem:s26+$0xC870];
	[tilespmem:s25+$0xC830] =	vst v15;
	v15 =	vsel vm0, $0x1, v0;
	v12 =	vnsel vm2, $0x0, v12;
	vm0 =	vne.f32 v13, $-1.000000000e+00  }
0x8f: {  	v17 =	vld [tilespmem:s26+$0xC800];
	[tilespmem:s25+$0xC840] =	vst v12;
	v12 =	vsel vm2, $0x1, v0;
	v13 =	vnsel vm0, $0x0, v13;
	vm1 =	vne.f32 v14, $-1.000000000e+00  }
0x90: {  	v18 =	vld [tilespmem:s26+$0xC810];
	[tilespmem:s25+$0xC850] =	vst v13;
	v13 =	vsel vm0, $0x1, v0;
	v14 =	vnsel vm1, $0x0, v14;
	v19 =	vsel vm1, $0x1, v0  }
0x91: {  	v2 =	vadd.s32 v9, v2;
	v8 =	vadd.s32 v10, v8;
	v7 =	vadd.s32 v11, v7;
	v20 =	vld [tilespmem:s26+$0xC820];
	[tilespmem:s25+$0xC860] =	vst v14;
	s25 =	smov.u32 s26  }
0x92: {  	v5 =	vadd.s32 v15, v5;
	v6 =	vadd.s32 v12, v6;
	v4 =	vadd.s32 v13, v4;
	v21 =	vld [tilespmem:s25+$0xC830]  }
0x93: {  	v3 =	vadd.s32 v19, v3;
	v12 =	vld [tilespmem:s25+$0xC840];
	vm0 =	vne.f32 v16, $-1.000000000e+00  }
.Ltmp2:
0x94: {  	vm1 =	vne.f32 v17, $-1.000000000e+00;
	v13 =	vld [tilespmem:s25+$0xC850];
	v9 =	vnsel vm0, $0x0, v16;
	v10 =	vsel vm0, $0x1, v0;
	(pc) =	sbr.rel @p0 .LBB2_6-.Ltmp2, $4  }
0x95: {  	v11 =	vnsel vm1, $0x0, v17;
	vm0 =	vne.f32 v18, $-1.000000000e+00;
	v14 =	vld [tilespmem:s25+$0xC860];
	[tilespmem:s25+$0xC870] =	vst v9;
	v1 =	vadd.s32 v10, v1  }
0x96: {  	v9 =	vsel vm1, $0x1, v0;
	[tilespmem:s25+$0xC800] =	vst v11;
	v10 =	vnsel vm0, $0x0, v18;
	vm1 =	vne.f32 v20, $-1.000000000e+00  }
0x97: {  	[tilespmem:s25+$0xC810] =	vst v10;
	v10 =	vsel vm0, $0x1, v0;
	v11 =	vnsel vm1, $0x0, v20;
	vm0 =	vne.f32 v21, $-1.000000000e+00  }
0x98: {  	s26 =	sshra.s32 s28, $0x2;
	s28 =	sadd.s32 $0x200, s28;
	[tilespmem:s25+$0xC820] =	vst v11;
	v11 =	vsel vm1, $0x1, v0;
	v15 =	vnsel vm0, $0x0, v21;
	vm2 =	vne.f32 v12, $-1.000000000e+00  }
0x99: {  	v16 =	vld [tilespmem:s26+$0xC870]  }
0x9a: {  	v17 =	vld [tilespmem:s26+$0xC800]  }
0x9b: {  	v18 =	vld [tilespmem:s26+$0xC810]  }
0x9c: {  	v19 =	vld [tilespmem:s26+$0xC820];
	[tilespmem:s25+$0xC830] =	vst v15;
	v12 =	vnsel vm2, $0x0, v12;
	vm3 =	vne.f32 v13, $-1.000000000e+00  }
0x9d: {  	v15 =	vld [tilespmem:s26+$0xC830];
	[tilespmem:s25+$0xC840] =	vst v12;
	v12 =	vnsel vm3, $0x0, v13;
	vm4 =	vne.f32 v14, $-1.000000000e+00  }
0x9e: {  	v13 =	vld [tilespmem:s26+$0xC840];
	[tilespmem:s25+$0xC850] =	vst v12;
	v12 =	vnsel vm4, $0x0, v14;
	vm1 =	vne.f32 v16, $-1.000000000e+00  }
0x9f: {  	v14 =	vld [tilespmem:s26+$0xC850];
	[tilespmem:s25+$0xC860] =	vst v12;
	vm5 =	vne.f32 v17, $-1.000000000e+00;
	v12 =	vnsel vm1, $0x0, v16  }
0xa0: {  	vm6 =	vne.f32 v18, $-1.000000000e+00;
	v16 =	vld [tilespmem:s26+$0xC860];
	v17 =	vnsel vm5, $0x0, v17;
	[tilespmem:s26+$0xC870] =	vst v12  }
0xa1: {  	vm7 =	vne.f32 v19, $-1.000000000e+00;
	[tilespmem:s26+$0xC800] =	vst v17;
	v12 =	vnsel vm6, $0x0, v18  }
0xa2: {  	v17 =	vsel vm0, $0x1, v0;
	vm0 =	vne.f32 v15, $-1.000000000e+00;
	[tilespmem:s26+$0xC810] =	vst v12;
	v12 =	vnsel vm7, $0x0, v19  }
0xa3: {  	v63 =	vsel vm2, $0x1, v0;
	vm2 =	vne.f32 v13, $-1.000000000e+00;
	[tilespmem:s26+$0xC820] =	vst v12;
	v12 =	vnsel vm0, $0x0, v15  }
0xa4: {  	v15 =	vsel vm3, $0x1, v0;
	vm3 =	vne.f32 v14, $-1.000000000e+00;
	[tilespmem:s26+$0xC830] =	vst v12;
	v12 =	vnsel vm2, $0x0, v13  }
0xa5: {  	v2 =	vadd.s32 v9, v2;
	[tilespmem:s26+$0xC840] =	vst v12;
	v12 =	vnsel vm3, $0x0, v14;
	vm15 =	vne.f32 v16, $-1.000000000e+00  }
0xa6: {  	v8 =	vadd.s32 v10, v8;
	v14 =	vsel vm5, $0x1, v0;
	[tilespmem:s26+$0xC850] =	vst v12;
	v9 =	vnsel vm15, $0x0, v16  }
0xa7: {  	v7 =	vadd.s32 v11, v7;
	v12 =	vsel vm6, $0x1, v0;
	v2 =	vadd.s32 v14, v2;
	[tilespmem:s26+$0xC860] =	vst v9  }
0xa8: {  	v6 =	vadd.s32 v63, v6;
	v9 =	vsel vm7, $0x1, v0;
	v8 =	vadd.s32 v12, v8;
	[tilespmem:$0x19100] =	vst v2  }
0xa9: {  	v5 =	vadd.s32 v17, v5;
	v2 =	vsel vm0, $0x1, v0;
	v7 =	vadd.s32 v9, v7;
	[tilespmem:$0x19110] =	vst v8  }
0xaa: {  	v13 =	vsel vm4, $0x1, v0;
	v8 =	vsel vm2, $0x1, v0;
	v2 =	vadd.s32 v2, v5;
	[tilespmem:$0x19120] =	vst v7  }
0xab: {  	v4 =	vadd.s32 v15, v4;
	v5 =	vsel vm3, $0x1, v0;
	v6 =	vadd.s32 v8, v6;
	[tilespmem:$0x19130] =	vst v2  }
0xac: {  	v2 =	vadd.s32 v13, v3;
	v3 =	vsel vm15, $0x1, v0;
	v4 =	vadd.s32 v5, v4;
	[tilespmem:$0x19140] =	vst v6  }
0xad: {  	v5 =	vsel vm1, $0x1, v0;
	v2 =	vadd.s32 v3, v2;
	[tilespmem:$0x19150] =	vst v4  }
0xae: {  	v1 =	vadd.s32 v5, v1;
	[tilespmem:$0x19160] =	vst v2  }
0xaf: {  	[tilespmem:$0x19170] =	vst v1  }
0xb0: {  	[hbm4b:s9+s13] =	stream.strided.scatter [tilespmem:s16], [sflag:$0x3], $0x6400, s14, s13, $0x38;
	[tilespmem:$0x19200] =	vst v63  }
0xb1: {  	_ =	swait.ge [sflag:s21], $0x6400  }
0xb2: {  	[sflag:s21] =	ssyncset.done $0x0  }
0xb3: {  	s25 =	simm.s32 $0x0;
	[sflag:s21] =	ssyncadd.s32 $0xFFFF9C00  }
0xb4: {  	v1 =	vld [tilespmem:s25+$0x12C70]  }
0xb5: {  	v3 =	vld [tilespmem:s25+$0x12C00]  }
0xb6: {  	v12 =	vld [tilespmem:s25+$0x12C40]  }
0xb7: {  	v4 =	vld [tilespmem:s25+$0x12C10]  }
0xb8: {  	v5 =	vld [tilespmem:s25+$0x12C20];
	_ =	sdelay $0x1  }
0xb9: {  	v8 =	vimm.s32 $0x0;
	v2 =	vimm.s32 $0x0;
	v6 =	vld [tilespmem:s25+$0x12C30]  }
0xba: {  	vm0 =	vne.f32 v1, $-1.000000000e+00;
	vm1 =	vne.f32 v3, $-1.000000000e+00;
	vm2 =	vne.f32 v12, $-1.000000000e+00  }
0xbb: {  	v7 =	vnsel vm0, $0x0, v1;
	v1 =	vsel vm0, $0x1, v0;
	v3 =	vnsel vm1, $0x0, v3  }
0xbc: {  	v13 =	vld [tilespmem:s25+$0x12C50];
	vm0 =	vne.f32 v4, $-1.000000000e+00;
	v9 =	vsel vm1, $0x1, v0;
	vm1 =	vne.f32 v5, $-1.000000000e+00  }
0xbd: {  	v14 =	vld [tilespmem:s25+$0x12C60];
	v1 =	vadd.s32 v1, v2;
	v4 =	vnsel vm0, $0x0, v4;
	[tilespmem:s25+$0x12C70] =	vst v7;
	v10 =	vsel vm0, $0x1, v0  }
0xbe: {  	v16 =	vnsel vm1, $0x0, v5;
	vm0 =	vne.f32 v6, $-1.000000000e+00;
	[tilespmem:s25+$0x12C00] =	vst v3;
	v11 =	vsel vm1, $0x1, v0  }
0xbf: {  	v7 =	vimm.s32 $0x0;
	v5 =	vimm.s32 $0x0;
	v3 =	vimm.s32 $0x0;
	[tilespmem:s25+$0x12C10] =	vst v4  }
0xc0: {  	s28 =	simm.s32 $0x400;
	s26 =	simm.s32 $0x80;
	v15 =	vnsel vm0, $0x0, v6;
	[tilespmem:s25+$0x12C20] =	vst v16;
	v6 =	vimm.s32 $0x0;
	v4 =	vimm.s32 $0x0  }
.LBB2_8:
0xc1: {  	p0 =	sne.s32 s28, $0x18E00;
	v16 =	vld [tilespmem:s26+$0x12C70];
	[tilespmem:s25+$0x12C30] =	vst v15;
	v15 =	vsel vm0, $0x1, v0;
	v12 =	vnsel vm2, $0x0, v12;
	vm0 =	vne.f32 v13, $-1.000000000e+00  }
0xc2: {  	v17 =	vld [tilespmem:s26+$0x12C00];
	[tilespmem:s25+$0x12C40] =	vst v12;
	v12 =	vsel vm2, $0x1, v0;
	v13 =	vnsel vm0, $0x0, v13;
	vm1 =	vne.f32 v14, $-1.000000000e+00  }
0xc3: {  	v18 =	vld [tilespmem:s26+$0x12C10];
	[tilespmem:s25+$0x12C50] =	vst v13;
	v13 =	vsel vm0, $0x1, v0;
	v14 =	vnsel vm1, $0x0, v14;
	v19 =	vsel vm1, $0x1, v0  }
0xc4: {  	v2 =	vadd.s32 v9, v2;
	v8 =	vadd.s32 v10, v8;
	v7 =	vadd.s32 v11, v7;
	v20 =	vld [tilespmem:s26+$0x12C20];
	[tilespmem:s25+$0x12C60] =	vst v14;
	s25 =	smov.u32 s26  }
0xc5: {  	v5 =	vadd.s32 v15, v5;
	v6 =	vadd.s32 v12, v6;
	v4 =	vadd.s32 v13, v4;
	v21 =	vld [tilespmem:s25+$0x12C30]  }
0xc6: {  	v3 =	vadd.s32 v19, v3;
	v12 =	vld [tilespmem:s25+$0x12C40];
	vm0 =	vne.f32 v16, $-1.000000000e+00  }
.Ltmp3:
0xc7: {  	vm1 =	vne.f32 v17, $-1.000000000e+00;
	v13 =	vld [tilespmem:s25+$0x12C50];
	v9 =	vnsel vm0, $0x0, v16;
	v10 =	vsel vm0, $0x1, v0;
	(pc) =	sbr.rel @p0 .LBB2_8-.Ltmp3, $4  }
0xc8: {  	v11 =	vnsel vm1, $0x0, v17;
	vm0 =	vne.f32 v18, $-1.000000000e+00;
	v14 =	vld [tilespmem:s25+$0x12C60];
	[tilespmem:s25+$0x12C70] =	vst v9;
	v1 =	vadd.s32 v10, v1  }
0xc9: {  	v9 =	vsel vm1, $0x1, v0;
	[tilespmem:s25+$0x12C00] =	vst v11;
	v10 =	vnsel vm0, $0x0, v18;
	vm1 =	vne.f32 v20, $-1.000000000e+00  }
0xca: {  	[tilespmem:s25+$0x12C10] =	vst v10;
	v10 =	vsel vm0, $0x1, v0;
	v11 =	vnsel vm1, $0x0, v20;
	vm0 =	vne.f32 v21, $-1.000000000e+00  }
0xcb: {  	s26 =	sshra.s32 s28, $0x2;
	s28 =	sadd.s32 $0x200, s28;
	[tilespmem:s25+$0x12C20] =	vst v11;
	v11 =	vsel vm1, $0x1, v0;
	v15 =	vnsel vm0, $0x0, v21;
	vm2 =	vne.f32 v12, $-1.000000000e+00  }
0xcc: {  	v16 =	vld [tilespmem:s26+$0x12C70]  }
0xcd: {  	v17 =	vld [tilespmem:s26+$0x12C00]  }
0xce: {  	v18 =	vld [tilespmem:s26+$0x12C10]  }
0xcf: {  	v19 =	vld [tilespmem:s26+$0x12C20];
	[tilespmem:s25+$0x12C30] =	vst v15;
	v12 =	vnsel vm2, $0x0, v12;
	vm3 =	vne.f32 v13, $-1.000000000e+00  }
0xd0: {  	v41 =	vld [tilespmem:s26+$0x12C30];
	[tilespmem:s25+$0x12C40] =	vst v12;
	v42 =	vnsel vm3, $0x0, v13;
	vm4 =	vne.f32 v14, $-1.000000000e+00  }
0xd1: {  	v43 =	vld [tilespmem:s26+$0x12C40];
	[tilespmem:s25+$0x12C50] =	vst v42;
	v44 =	vnsel vm4, $0x0, v14;
	vm1 =	vne.f32 v16, $-1.000000000e+00  }
0xd2: {  	v45 =	vld [tilespmem:s26+$0x12C50];
	[tilespmem:s25+$0x12C60] =	vst v44;
	vm5 =	vne.f32 v17, $-1.000000000e+00;
	v46 =	vnsel vm1, $0x0, v16  }
0xd3: {  	v47 =	vld [tilespmem:s26+$0x12C60];
	vm6 =	vne.f32 v18, $-1.000000000e+00;
	v17 =	vnsel vm5, $0x0, v17;
	[tilespmem:s26+$0x12C70] =	vst v46  }
0xd4: {  	vm7 =	vne.f32 v19, $-1.000000000e+00;
	v48 =	vnsel vm6, $0x0, v18;
	[tilespmem:s26+$0x12C00] =	vst v17  }
0xd5: {  	vm12 =	vne.f32 v41, $-1.000000000e+00;
	v50 =	vnsel vm7, $0x0, v19;
	[tilespmem:s26+$0x12C10] =	vst v48  }
0xd6: {  	v49 =	vsel vm0, $0x1, v0;
	vm13 =	vne.f32 v43, $-1.000000000e+00;
	v52 =	vnsel vm12, $0x0, v41;
	[tilespmem:s26+$0x12C20] =	vst v50  }
0xd7: {  	v51 =	vsel vm2, $0x1, v0;
	vm14 =	vne.f32 v45, $-1.000000000e+00;
	v54 =	vnsel vm13, $0x0, v43;
	[tilespmem:s26+$0x12C30] =	vst v52  }
0xd8: {  	v2 =	vadd.s32 v9, v2;
	vm15 =	vne.f32 v47, $-1.000000000e+00;
	v56 =	vnsel vm14, $0x0, v45;
	[tilespmem:s26+$0x12C40] =	vst v54  }
0xd9: {  	v8 =	vadd.s32 v10, v8;
	v57 =	vsel vm5, $0x1, v0;
	v58 =	vnsel vm15, $0x0, v47;
	[tilespmem:s26+$0x12C50] =	vst v56  }
0xda: {  	v7 =	vadd.s32 v11, v7;
	v59 =	vsel vm6, $0x1, v0;
	v2 =	vadd.s32 v57, v2;
	[tilespmem:s26+$0x12C60] =	vst v58  }
0xdb: {  	v53 =	vsel vm3, $0x1, v0;
	v60 =	vsel vm7, $0x1, v0;
	v8 =	vadd.s32 v59, v8;
	[tilespmem:$0x19180] =	vst v2  }
0xdc: {  	v6 =	vadd.s32 v51, v6;
	v61 =	vsel vm13, $0x1, v0;
	v7 =	vadd.s32 v60, v7;
	[tilespmem:$0x19190] =	vst v8  }
0xdd: {  	v4 =	vadd.s32 v53, v4;
	v62 =	vsel vm14, $0x1, v0;
	v6 =	vadd.s32 v61, v6;
	[tilespmem:$0x191A0] =	vst v7  }
0xde: {  	v5 =	vadd.s32 v49, v5;
	v4 =	vadd.s32 v62, v4;
	v2 =	vsel vm12, $0x1, v0;
	[tilespmem:$0x191C0] =	vst v6  }
0xdf: {  	v55 =	vsel vm4, $0x1, v0;
	v63 =	vsel vm1, $0x1, v0;
	[tilespmem:$0x191D0] =	vst v4;
	v2 =	vadd.s32 v2, v5  }
0xe0: {  	v1 =	vadd.s32 v63, v1;
	[tilespmem:$0x191B0] =	vst v2;
	v2 =	vadd.s32 v55, v3;
	v3 =	vsel vm15, $0x1, v0  }
0xe1: {  	[tilespmem:$0x191F0] =	vst v1;
	v2 =	vadd.s32 v3, v2  }
0xe2: {  	[tilespmem:$0x191E0] =	vst v2  }
0xe3: {  	[hbm4b:s10+s13] =	stream.strided.scatter [tilespmem:s18], [sflag:$0x4], $0x6400, s14, s13, $0x38;
	[tilespmem:$0x19200] =	vst v63  }
0xe4: {  	_ =	swait.ge [sflag:s17], $0x6400  }
0xe5: {  	[sflag:s17] =	ssyncset.done $0x0  }
0xe6: {  	[sflag:s17] =	ssyncadd.s32 $0xFFFF9C00  }
0xe7: {  	_ =	swait.ge [sflag:s19], $0x6400  }
0xe8: {  	[sflag:s19] =	ssyncset.done $0x0  }
0xe9: {  	[sflag:s19] =	ssyncadd.s32 $0xFFFF9C00  }
0xea: {  	_ =	swait.ge [sflag:s20], $0x6400  }
0xeb: {  	[sflag:s20] =	ssyncset.done $0x0  }
0xec: {  	[sflag:s20] =	ssyncadd.s32 $0xFFFF9C00  }
0xed: {  	s24 =	sadd.s32 $0x1, s24;
	_ =	swait.ge [sflag:s21], $0x6400  }
0xee: {  	p0 =	sne.s32 s24, s12;
	[sflag:s21] =	ssyncset.done $0x0  }
.Ltmp4:
0xef: {  	[sflag:s21] =	ssyncadd.s32 $0xFFFF9C00;
	(pc) =	sbr.rel @p0 .LBB2_1-.Ltmp4, $4  }
0xf0: {  	[hbm4b:s11+s2] =	stream.linear.scatter [tilespmem:s22], [sflag:$0x5], $0x200, $0x38;
	[tilespmem:$0x19200] =	vst v63  }
0xf1: {  	_ =	swait.ge [sflag:s23], $0x200  }
0xf2: {  	[sflag:s23] =	ssyncset.done $0x0  }
0xf3: {  	[sflag:s23] =	ssyncadd.s32 $0xFFFFFE00  }
0xf4: {  	_ =	sfence.sel $0x180000  }
0xf5: {  	[bflag:$0x0] =	sbarrier.arrive $0xFFFF  }
0xf6: {  	p0 =	sne.s32 s1, $0x0;
	_ =	strace $0x90000047  }
0xf7: {  	s0 =	sadd.s32 @!p0 $0x100000, s0;
	[bflag:$0x2] =	sbarrier.arrive $0xFFFF  }
0xf8: {  	[sflag:s0] =	ssyncadd.tile.s32 @!p0 $0x1;
	_ =	shalt  }
.Lfunc_end2:
_tile_overlayer_lowered:
.L_overlay_start_2:
0xf9: {  	(tag) =	ssettag $0x2  }
0xfa: {  	s0 =	rddreg [dreg:$0x0];
	s2 =	stileid.u32  }
0xfb: {  	s1 =	rddreg [dreg:$0x1];
	p0 =	sne.s32 s2, $0x0  }
0xfc: {  	s3 =	rddreg [dreg:$0x2];
	[bflag:$0x3] =	sbarrier.arrive $0xFFFF;
	s2 =	simm.s32 @!p0 $0x1C05  }
0xfd: {  	[timem:s3], [sflag:s2] =	dma.local @!p0 [hbm:s0], s1  }
0xfe: {  	s0 =	simm.s32 @!p0 $0x5  }
0xff: {  	_ =	swait.ge @!p0 [sflag:s0], s1  }
0x100: {  	s1 =	ssub.s32 @!p0 $0x0, s1;
	[sflag:s0] =	ssyncset.done @!p0 $0x0  }
0x101: {  	[sflag:s0] =	ssyncadd.s32 @!p0 s1  }
0x102: {  	[bflag:$0x3] =	sbarrier.arrive $0xFFFF  }
0x103: {  	_ =	shalt  }

</sc_bundles>
